<compile_context>
chip_gen: v7x
topology: tpu7x:2x2x1
jax: 0.10.2.dev20260603
libtpu: 0.0.44.dev20260713+nightly
codegen_flags: <defaults>
</compile_context>

<pallas_src>
import jax
import jax.numpy as jnp
from jax.experimental import pallas as pl
from jax.experimental.pallas import tpu as pltpu
from jax.experimental.pallas import tpu_sc as plsc

_NUM_SC_WORKERS = 32


def _tile_kernel(x_ref, col_ref, row_ref, tile_ref):
    num_clips, d = col_ref.shape
    hw = x_ref.shape[1]
    w = hw // num_clips

    k_iota = jax.lax.broadcasted_iota(jnp.int32, (num_clips, hw), 0)
    p_iota = jax.lax.broadcasted_iota(jnp.int32, (num_clips, hw), 1)
    onehot_col = (x_ref[:] == k_iota).astype(jnp.float32)
    onehot_row = ((p_iota // w) == k_iota).astype(jnp.float32)

    dn = (((0,), (0,)), ((), ()))
    tile_ref[:d, :] = jax.lax.dot_general(col_ref[:], onehot_col, dn,
                                          preferred_element_type=jnp.float32,
                                          precision=jax.lax.Precision.HIGHEST)
    tile_ref[d:, :] = jax.lax.dot_general(row_ref[:], onehot_row, dn,
                                          preferred_element_type=jnp.float32,
                                          precision=jax.lax.Precision.HIGHEST)


def kernel(x, col_embed, row_embed):
    h, w = x.shape
    num_clips, d = col_embed.shape
    b = h
    hw = h * w
    rows = 2 * d // _NUM_SC_WORKERS

    x_flat = x.reshape(1, hw)

    tile = pl.pallas_call(
        _tile_kernel,
        out_shape=jax.ShapeDtypeStruct((2 * d, hw), jnp.float32),
    )(x_flat, col_embed, row_embed)

    sc_mesh = plsc.VectorSubcoreMesh(core_axis_name="c", subcore_axis_name="s")

    @pl.kernel(
        out_type=jax.ShapeDtypeStruct((b, 2 * d, hw), jnp.float32),
        mesh=sc_mesh,
        scratch_types=[
            pltpu.VMEM((rows, hw), jnp.float32),
            pltpu.SemaphoreType.DMA,
            pltpu.SemaphoreType.DMA,
        ],
        compiler_params=pltpu.CompilerParams(use_tc_tiling_on_sc=True),
    )
    def _broadcast_kernel(tile_ref, out_ref, chunk, sem_in, sem_out):
        core = jax.lax.axis_index("c")
        sub = jax.lax.axis_index("s")
        tid = core * 16 + sub
        r0 = tid * rows
        pltpu.async_copy(tile_ref.at[pl.ds(r0, rows), :], chunk, sem_in).wait()
        copies = [
            pltpu.make_async_copy(chunk, out_ref.at[i, pl.ds(r0, rows), :],
                                  sem_out)
            for i in range(b)
        ]
        for c in copies:
            c.start()
        for c in copies:
            c.wait()

    out_flat = _broadcast_kernel(tile)
    return out_flat.reshape(b, 2 * d, h, w)

# --- scband reference (transcript-rebuilt; emitter-appended) ---
"""Pipeline reference for scband-position-embedding-learned-6004364280211 (READ-ONLY COPY).

The authoritative reference and input builder live on the scoring server;
editing this copy changes nothing except your own understanding.
"""

import jax, jax.numpy as jnp
import numpy as np

NUM_POS_FEATS = 512
NUM_CLIPS = 32
H = 32
W = 32


def setup_inputs(seed: int = 0) -> dict:
    key = jax.random.key(seed)
    k1, k2, k3 = jax.random.split(key, 3)
    # index grid into the clip embedding tables (values in [0, NUM_CLIPS))
    x = jax.random.randint(k1, (H, W), 0, NUM_CLIPS, dtype=jnp.int32)
    # learned parameters: nn.init.uniform_ default is U[0,1)
    col_embed = jax.random.uniform(k2, (NUM_CLIPS, NUM_POS_FEATS), dtype=jnp.float32)
    row_embed = jax.random.uniform(k3, (NUM_CLIPS, NUM_POS_FEATS), dtype=jnp.float32)
    return {"x": x, "col_embed": col_embed, "row_embed": row_embed}


def reference(x, col_embed, row_embed):
    # x: int32[h, w] clip index grid
    h = x.shape[-2]
    w = x.shape[-1]
    j = jnp.arange(h)
    # gather: embedding lookups
    x_emb = jnp.take(col_embed, x, axis=0)              # [h, w, d]  (col_embed(x))
    y_emb = jnp.take(row_embed, j, axis=0)              # [h, d]     (row_embed(j))
    # y_emb.unsqueeze(1).repeat(1, w, 1)
    y_rep = jnp.broadcast_to(y_emb[:, None, :], (h, w, y_emb.shape[-1]))
    # cat along last dim -> [h, w, 2d]
    pos = jnp.concatenate([x_emb, y_rep], axis=-1)
    # permute(2, 0, 1) -> [2d, h, w]
    pos = jnp.transpose(pos, (2, 0, 1))
    # unsqueeze(0).repeat(x.shape[0], 1, 1, 1) -> [x.shape[0], 2d, h, w]
    pos = jnp.broadcast_to(pos[None, ...], (x.shape[0],) + pos.shape)
    return pos

if __name__ == "__main__":
    import jax
    _d = setup_inputs()
    print(jax.jit(kernel)(*tuple(_d.values())))

</pallas_src>

<mosaic_0001>
#map = affine_map<(d0, d1) -> (0, 0)>
#map1 = affine_map<(d0, d1) -> (0, 0, 0)>
module attributes {stable_mosaic.version = 14 : i64} {
  func.func @_broadcast_kernel(%arg0: i32, %arg1: i32, %arg2: memref<1024x1024xf32, #tpu.memory_space<hbm>>, %arg3: memref<32x1024x1024xf32, #tpu.memory_space<hbm>>, %arg4: memref<32x1024xf32, #tpu.memory_space<vmem>>, %arg5: memref<!tpu.dma_semaphore, #tpu.memory_space<semaphore_mem>>, %arg6: memref<!tpu.dma_semaphore, #tpu.memory_space<semaphore_mem>>) attributes {dimension_semantics = [#tpu.dimension_semantics<core_parallel>, #tpu.dimension_semantics<subcore_parallel>], iteration_bounds = array<i64: 2, 16>, scalar_prefetch = 0 : i64, scratch_operands = 3 : i64, tpu.core_type = #tpu.core_type<sc_vector_subcore>, window_params = [{transform_indices = #map}, {transform_indices = #map1}]} {
    %mul3A = arith.constant 16 : i32
    %mul3A_0 = arith.muli %arg0, %mul3A : i32
    %add3A = arith.addi %mul3A_0, %arg1 : i32
    %mul3A_1 = arith.constant 32 : i32
    %mul3A_2 = arith.muli %add3A, %mul3A_1 : i32
    %dma_start3A = arith.constant 0 : i32
    %dma_start3A_3 = tpu.memref_slice %arg2[%mul3A_2, %dma_start3A] : memref<1024x1024xf32, #tpu.memory_space<hbm>> -> memref<32x1024xf32, #tpu.memory_space<hbm>>
    %dma_start3A_4 = arith.constant 0 : i32
    %dma_start3A_5 = tpu.memref_slice %arg2[%mul3A_2, %dma_start3A_4] : memref<1024x1024xf32, #tpu.memory_space<hbm>> -> memref<32x1024xf32, #tpu.memory_space<hbm>>
    tpu.enqueue_dma source(%dma_start3A_5 : memref<32x1024xf32, #tpu.memory_space<hbm>>) target(%arg4 : memref<32x1024xf32, #tpu.memory_space<vmem>>) target_semaphore(%arg5 : memref<!tpu.dma_semaphore, #tpu.memory_space<semaphore_mem>>)
    %dma_wait3A = arith.constant 0 : i32
    %dma_wait3A_6 = tpu.memref_slice %arg2[%mul3A_2, %dma_wait3A] : memref<1024x1024xf32, #tpu.memory_space<hbm>> -> memref<32x1024xf32, #tpu.memory_space<hbm>>
    %dma_wait3A_7 = arith.constant 0 : i32
    %dma_wait3A_8 = tpu.memref_slice %arg2[%mul3A_2, %dma_wait3A_7] : memref<1024x1024xf32, #tpu.memory_space<hbm>> -> memref<32x1024xf32, #tpu.memory_space<hbm>>
    tpu.wait_dma2 semaphore(%arg5 : memref<!tpu.dma_semaphore, #tpu.memory_space<semaphore_mem>>) src(%dma_wait3A_8 : memref<32x1024xf32, #tpu.memory_space<hbm>>) dst(%arg4 : memref<32x1024xf32, #tpu.memory_space<vmem>>)
    %dma_start3A_9 = arith.constant 0 : i32
    %dma_start3A_10 = arith.constant 0 : i32
    %dma_start3A_11 = tpu.memref_slice %arg3[%dma_start3A_9, %mul3A_2, %dma_start3A_10] : memref<32x1024x1024xf32, #tpu.memory_space<hbm>> -> memref<1x32x1024xf32, #tpu.memory_space<hbm>>
    %dma_start3A_12 = tpu.memref_squeeze %dma_start3A_11 : memref<1x32x1024xf32, #tpu.memory_space<hbm>> -> memref<32x1024xf32, #tpu.memory_space<hbm>>
    %dma_start3A_13 = arith.constant 0 : i32
    %dma_start3A_14 = tpu.memref_slice %arg3[%dma_start3A_9, %mul3A_2, %dma_start3A_13] : memref<32x1024x1024xf32, #tpu.memory_space<hbm>> -> memref<1x32x1024xf32, #tpu.memory_space<hbm>>
    %dma_start3A_15 = tpu.memref_squeeze %dma_start3A_14 : memref<1x32x1024xf32, #tpu.memory_space<hbm>> -> memref<32x1024xf32, #tpu.memory_space<hbm>>
    tpu.enqueue_dma source(%arg4 : memref<32x1024xf32, #tpu.memory_space<vmem>>) target(%dma_start3A_15 : memref<32x1024xf32, #tpu.memory_space<hbm>>) target_semaphore(%arg6 : memref<!tpu.dma_semaphore, #tpu.memory_space<semaphore_mem>>)
    %dma_start3A_16 = arith.constant 1 : i32
    %dma_start3A_17 = arith.constant 0 : i32
    %dma_start3A_18 = tpu.memref_slice %arg3[%dma_start3A_16, %mul3A_2, %dma_start3A_17] : memref<32x1024x1024xf32, #tpu.memory_space<hbm>> -> memref<1x32x1024xf32, #tpu.memory_space<hbm>>
    %dma_start3A_19 = tpu.memref_squeeze %dma_start3A_18 : memref<1x32x1024xf32, #tpu.memory_space<hbm>> -> memref<32x1024xf32, #tpu.memory_space<hbm>>
    %dma_start3A_20 = arith.constant 0 : i32
    %dma_start3A_21 = tpu.memref_slice %arg3[%dma_start3A_16, %mul3A_2, %dma_start3A_20] : memref<32x1024x1024xf32, #tpu.memory_space<hbm>> -> memref<1x32x1024xf32, #tpu.memory_space<hbm>>
    %dma_start3A_22 = tpu.memref_squeeze %dma_start3A_21 : memref<1x32x1024xf32, #tpu.memory_space<hbm>> -> memref<32x1024xf32, #tpu.memory_space<hbm>>
    tpu.enqueue_dma source(%arg4 : memref<32x1024xf32, #tpu.memory_space<vmem>>) target(%dma_start3A_22 : memref<32x1024xf32, #tpu.memory_space<hbm>>) target_semaphore(%arg6 : memref<!tpu.dma_semaphore, #tpu.memory_space<semaphore_mem>>)
    %dma_start3A_23 = arith.constant 2 : i32
    %dma_start3A_24 = arith.constant 0 : i32
    %dma_start3A_25 = tpu.memref_slice %arg3[%dma_start3A_23, %mul3A_2, %dma_start3A_24] : memref<32x1024x1024xf32, #tpu.memory_space<hbm>> -> memref<1x32x1024xf32, #tpu.memory_space<hbm>>
    %dma_start3A_26 = tpu.memref_squeeze %dma_start3A_25 : memref<1x32x1024xf32, #tpu.memory_space<hbm>> -> memref<32x1024xf32, #tpu.memory_space<hbm>>
    %dma_start3A_27 = arith.constant 0 : i32
    %dma_start3A_28 = tpu.memref_slice %arg3[%dma_start3A_23, %mul3A_2, %dma_start3A_27] : memref<32x1024x1024xf32, #tpu.memory_space<hbm>> -> memref<1x32x1024xf32, #tpu.memory_space<hbm>>
    %dma_start3A_29 = tpu.memref_squeeze %dma_start3A_28 : memref<1x32x1024xf32, #tpu.memory_space<hbm>> -> memref<32x1024xf32, #tpu.memory_space<hbm>>
    tpu.enqueue_dma source(%arg4 : memref<32x1024xf32, #tpu.memory_space<vmem>>) target(%dma_start3A_29 : memref<32x1024xf32, #tpu.memory_space<hbm>>) target_semaphore(%arg6 : memref<!tpu.dma_semaphore, #tpu.memory_space<semaphore_mem>>)
    %dma_start3A_30 = arith.constant 3 : i32
    %dma_start3A_31 = arith.constant 0 : i32
    %dma_start3A_32 = tpu.memref_slice %arg3[%dma_start3A_30, %mul3A_2, %dma_start3A_31] : memref<32x1024x1024xf32, #tpu.memory_space<hbm>> -> memref<1x32x1024xf32, #tpu.memory_space<hbm>>
    %dma_start3A_33 = tpu.memref_squeeze %dma_start3A_32 : memref<1x32x1024xf32, #tpu.memory_space<hbm>> -> memref<32x1024xf32, #tpu.memory_space<hbm>>
    %dma_start3A_34 = arith.constant 0 : i32
    %dma_start3A_35 = tpu.memref_slice %arg3[%dma_start3A_30, %mul3A_2, %dma_start3A_34] : memref<32x1024x1024xf32, #tpu.memory_space<hbm>> -> memref<1x32x1024xf32, #tpu.memory_space<hbm>>
    %dma_start3A_36 = tpu.memref_squeeze %dma_start3A_35 : memref<1x32x1024xf32, #tpu.memory_space<hbm>> -> memref<32x1024xf32, #tpu.memory_space<hbm>>
    tpu.enqueue_dma source(%arg4 : memref<32x1024xf32, #tpu.memory_space<vmem>>) target(%dma_start3A_36 : memref<32x1024xf32, #tpu.memory_space<hbm>>) target_semaphore(%arg6 : memref<!tpu.dma_semaphore, #tpu.memory_space<semaphore_mem>>)
    %dma_start3A_37 = arith.constant 4 : i32
    %dma_start3A_38 = arith.constant 0 : i32
    %dma_start3A_39 = tpu.memref_slice %arg3[%dma_start3A_37, %mul3A_2, %dma_start3A_38] : memref<32x1024x1024xf32, #tpu.memory_space<hbm>> -> memref<1x32x1024xf32, #tpu.memory_space<hbm>>
    %dma_start3A_40 = tpu.memref_squeeze %dma_start3A_39 : memref<1x32x1024xf32, #tpu.memory_space<hbm>> -> memref<32x1024xf32, #tpu.memory_space<hbm>>
    %dma_start3A_41 = arith.constant 0 : i32
    %dma_start3A_42 = tpu.memref_slice %arg3[%dma_start3A_37, %mul3A_2, %dma_start3A_41] : memref<32x1024x1024xf32, #tpu.memory_space<hbm>> -> memref<1x32x1024xf32, #tpu.memory_space<hbm>>
    %dma_start3A_43 = tpu.memref_squeeze %dma_start3A_42 : memref<1x32x1024xf32, #tpu.memory_space<hbm>> -> memref<32x1024xf32, #tpu.memory_space<hbm>>
    tpu.enqueue_dma source(%arg4 : memref<32x1024xf32, #tpu.memory_space<vmem>>) target(%dma_start3A_43 : memref<32x1024xf32, #tpu.memory_space<hbm>>) target_semaphore(%arg6 : memref<!tpu.dma_semaphore, #tpu.memory_space<semaphore_mem>>)
    %dma_start3A_44 = arith.constant 5 : i32
    %dma_start3A_45 = arith.constant 0 : i32
    %dma_start3A_46 = tpu.memref_slice %arg3[%dma_start3A_44, %mul3A_2, %dma_start3A_45] : memref<32x1024x1024xf32, #tpu.memory_space<hbm>> -> memref<1x32x1024xf32, #tpu.memory_space<hbm>>
    %dma_start3A_47 = tpu.memref_squeeze %dma_start3A_46 : memref<1x32x1024xf32, #tpu.memory_space<hbm>> -> memref<32x1024xf32, #tpu.memory_space<hbm>>
    %dma_start3A_48 = arith.constant 0 : i32
    %dma_start3A_49 = tpu.memref_slice %arg3[%dma_start3A_44, %mul3A_2, %dma_start3A_48] : memref<32x1024x1024xf32, #tpu.memory_space<hbm>> -> memref<1x32x1024xf32, #tpu.memory_space<hbm>>
    %dma_start3A_50 = tpu.memref_squeeze %dma_start3A_49 : memref<1x32x1024xf32, #tpu.memory_space<hbm>> -> memref<32x1024xf32, #tpu.memory_space<hbm>>
    tpu.enqueue_dma source(%arg4 : memref<32x1024xf32, #tpu.memory_space<vmem>>) target(%dma_start3A_50 : memref<32x1024xf32, #tpu.memory_space<hbm>>) target_semaphore(%arg6 : memref<!tpu.dma_semaphore, #tpu.memory_space<semaphore_mem>>)
    %dma_start3A_51 = arith.constant 6 : i32
    %dma_start3A_52 = arith.constant 0 : i32
    %dma_start3A_53 = tpu.memref_slice %arg3[%dma_start3A_51, %mul3A_2, %dma_start3A_52] : memref<32x1024x1024xf32, #tpu.memory_space<hbm>> -> memref<1x32x1024xf32, #tpu.memory_space<hbm>>
    %dma_start3A_54 = tpu.memref_squeeze %dma_start3A_53 : memref<1x32x1024xf32, #tpu.memory_space<hbm>> -> memref<32x1024xf32, #tpu.memory_space<hbm>>
    %dma_start3A_55 = arith.constant 0 : i32
    %dma_start3A_56 = tpu.memref_slice %arg3[%dma_start3A_51, %mul3A_2, %dma_start3A_55] : memref<32x1024x1024xf32, #tpu.memory_space<hbm>> -> memref<1x32x1024xf32, #tpu.memory_space<hbm>>
    %dma_start3A_57 = tpu.memref_squeeze %dma_start3A_56 : memref<1x32x1024xf32, #tpu.memory_space<hbm>> -> memref<32x1024xf32, #tpu.memory_space<hbm>>
    tpu.enqueue_dma source(%arg4 : memref<32x1024xf32, #tpu.memory_space<vmem>>) target(%dma_start3A_57 : memref<32x1024xf32, #tpu.memory_space<hbm>>) target_semaphore(%arg6 : memref<!tpu.dma_semaphore, #tpu.memory_space<semaphore_mem>>)
    %dma_start3A_58 = arith.constant 7 : i32
    %dma_start3A_59 = arith.constant 0 : i32
    %dma_start3A_60 = tpu.memref_slice %arg3[%dma_start3A_58, %mul3A_2, %dma_start3A_59] : memref<32x1024x1024xf32, #tpu.memory_space<hbm>> -> memref<1x32x1024xf32, #tpu.memory_space<hbm>>
    %dma_start3A_61 = tpu.memref_squeeze %dma_start3A_60 : memref<1x32x1024xf32, #tpu.memory_space<hbm>> -> memref<32x1024xf32, #tpu.memory_space<hbm>>
    %dma_start3A_62 = arith.constant 0 : i32
    %dma_start3A_63 = tpu.memref_slice %arg3[%dma_start3A_58, %mul3A_2, %dma_start3A_62] : memref<32x1024x1024xf32, #tpu.memory_space<hbm>> -> memref<1x32x1024xf32, #tpu.memory_space<hbm>>
    %dma_start3A_64 = tpu.memref_squeeze %dma_start3A_63 : memref<1x32x1024xf32, #tpu.memory_space<hbm>> -> memref<32x1024xf32, #tpu.memory_space<hbm>>
    tpu.enqueue_dma source(%arg4 : memref<32x1024xf32, #tpu.memory_space<vmem>>) target(%dma_start3A_64 : memref<32x1024xf32, #tpu.memory_space<hbm>>) target_semaphore(%arg6 : memref<!tpu.dma_semaphore, #tpu.memory_space<semaphore_mem>>)
    %dma_start3A_65 = arith.constant 8 : i32
    %dma_start3A_66 = arith.constant 0 : i32
    %dma_start3A_67 = tpu.memref_slice %arg3[%dma_start3A_65, %mul3A_2, %dma_start3A_66] : memref<32x1024x1024xf32, #tpu.memory_space<hbm>> -> memref<1x32x1024xf32, #tpu.memory_space<hbm>>
    %dma_start3A_68 = tpu.memref_squeeze %dma_start3A_67 : memref<1x32x1024xf32, #tpu.memory_space<hbm>> -> memref<32x1024xf32, #tpu.memory_space<hbm>>
    %dma_start3A_69 = arith.constant 0 : i32
    %dma_start3A_70 = tpu.memref_slice %arg3[%dma_start3A_65, %mul3A_2, %dma_start3A_69] : memref<32x1024x1024xf32, #tpu.memory_space<hbm>> -> memref<1x32x1024xf32, #tpu.memory_space<hbm>>
    %dma_start3A_71 = tpu.memref_squeeze %dma_start3A_70 : memref<1x32x1024xf32, #tpu.memory_space<hbm>> -> memref<32x1024xf32, #tpu.memory_space<hbm>>
    tpu.enqueue_dma source(%arg4 : memref<32x1024xf32, #tpu.memory_space<vmem>>) target(%dma_start3A_71 : memref<32x1024xf32, #tpu.memory_space<hbm>>) target_semaphore(%arg6 : memref<!tpu.dma_semaphore, #tpu.memory_space<semaphore_mem>>)
    %dma_start3A_72 = arith.constant 9 : i32
    %dma_start3A_73 = arith.constant 0 : i32
    %dma_start3A_74 = tpu.memref_slice %arg3[%dma_start3A_72, %mul3A_2, %dma_start3A_73] : memref<32x1024x1024xf32, #tpu.memory_space<hbm>> -> memref<1x32x1024xf32, #tpu.memory_space<hbm>>
    %dma_start3A_75 = tpu.memref_squeeze %dma_start3A_74 : memref<1x32x1024xf32, #tpu.memory_space<hbm>> -> memref<32x1024xf32, #tpu.memory_space<hbm>>
    %dma_start3A_76 = arith.constant 0 : i32
    %dma_start3A_77 = tpu.memref_slice %arg3[%dma_start3A_72, %mul3A_2, %dma_start3A_76] : memref<32x1024x1024xf32, #tpu.memory_space<hbm>> -> memref<1x32x1024xf32, #tpu.memory_space<hbm>>
    %dma_start3A_78 = tpu.memref_squeeze %dma_start3A_77 : memref<1x32x1024xf32, #tpu.memory_space<hbm>> -> memref<32x1024xf32, #tpu.memory_space<hbm>>
    tpu.enqueue_dma source(%arg4 : memref<32x1024xf32, #tpu.memory_space<vmem>>) target(%dma_start3A_78 : memref<32x1024xf32, #tpu.memory_space<hbm>>) target_semaphore(%arg6 : memref<!tpu.dma_semaphore, #tpu.memory_space<semaphore_mem>>)
    %dma_start3A_79 = arith.constant 10 : i32
    %dma_start3A_80 = arith.constant 0 : i32
    %dma_start3A_81 = tpu.memref_slice %arg3[%dma_start3A_79, %mul3A_2, %dma_start3A_80] : memref<32x1024x1024xf32, #tpu.memory_space<hbm>> -> memref<1x32x1024xf32, #tpu.memory_space<hbm>>
    %dma_start3A_82 = tpu.memref_squeeze %dma_start3A_81 : memref<1x32x1024xf32, #tpu.memory_space<hbm>> -> memref<32x1024xf32, #tpu.memory_space<hbm>>
    %dma_start3A_83 = arith.constant 0 : i32
    %dma_start3A_84 = tpu.memref_slice %arg3[%dma_start3A_79, %mul3A_2, %dma_start3A_83] : memref<32x1024x1024xf32, #tpu.memory_space<hbm>> -> memref<1x32x1024xf32, #tpu.memory_space<hbm>>
    %dma_start3A_85 = tpu.memref_squeeze %dma_start3A_84 : memref<1x32x1024xf32, #tpu.memory_space<hbm>> -> memref<32x1024xf32, #tpu.memory_space<hbm>>
    tpu.enqueue_dma source(%arg4 : memref<32x1024xf32, #tpu.memory_space<vmem>>) target(%dma_start3A_85 : memref<32x1024xf32, #tpu.memory_space<hbm>>) target_semaphore(%arg6 : memref<!tpu.dma_semaphore, #tpu.memory_space<semaphore_mem>>)
    %dma_start3A_86 = arith.constant 11 : i32
    %dma_start3A_87 = arith.constant 0 : i32
    %dma_start3A_88 = tpu.memref_slice %arg3[%dma_start3A_86, %mul3A_2, %dma_start3A_87] : memref<32x1024x1024xf32, #tpu.memory_space<hbm>> -> memref<1x32x1024xf32, #tpu.memory_space<hbm>>
    %dma_start3A_89 = tpu.memref_squeeze %dma_start3A_88 : memref<1x32x1024xf32, #tpu.memory_space<hbm>> -> memref<32x1024xf32, #tpu.memory_space<hbm>>
    %dma_start3A_90 = arith.constant 0 : i32
    %dma_start3A_91 = tpu.memref_slice %arg3[%dma_start3A_86, %mul3A_2, %dma_start3A_90] : memref<32x1024x1024xf32, #tpu.memory_space<hbm>> -> memref<1x32x1024xf32, #tpu.memory_space<hbm>>
    %dma_start3A_92 = tpu.memref_squeeze %dma_start3A_91 : memref<1x32x1024xf32, #tpu.memory_space<hbm>> -> memref<32x1024xf32, #tpu.memory_space<hbm>>
    tpu.enqueue_dma source(%arg4 : memref<32x1024xf32, #tpu.memory_space<vmem>>) target(%dma_start3A_92 : memref<32x1024xf32, #tpu.memory_space<hbm>>) target_semaphore(%arg6 : memref<!tpu.dma_semaphore, #tpu.memory_space<semaphore_mem>>)
    %dma_start3A_93 = arith.constant 12 : i32
    %dma_start3A_94 = arith.constant 0 : i32
    %dma_start3A_95 = tpu.memref_slice %arg3[%dma_start3A_93, %mul3A_2, %dma_start3A_94] : memref<32x1024x1024xf32, #tpu.memory_space<hbm>> -> memref<1x32x1024xf32, #tpu.memory_space<hbm>>
    %dma_start3A_96 = tpu.memref_squeeze %dma_start3A_95 : memref<1x32x1024xf32, #tpu.memory_space<hbm>> -> memref<32x1024xf32, #tpu.memory_space<hbm>>
    %dma_start3A_97 = arith.constant 0 : i32
    %dma_start3A_98 = tpu.memref_slice %arg3[%dma_start3A_93, %mul3A_2, %dma_start3A_97] : memref<32x1024x1024xf32, #tpu.memory_space<hbm>> -> memref<1x32x1024xf32, #tpu.memory_space<hbm>>
    %dma_start3A_99 = tpu.memref_squeeze %dma_start3A_98 : memref<1x32x1024xf32, #tpu.memory_space<hbm>> -> memref<32x1024xf32, #tpu.memory_space<hbm>>
    tpu.enqueue_dma source(%arg4 : memref<32x1024xf32, #tpu.memory_space<vmem>>) target(%dma_start3A_99 : memref<32x1024xf32, #tpu.memory_space<hbm>>) target_semaphore(%arg6 : memref<!tpu.dma_semaphore, #tpu.memory_space<semaphore_mem>>)
    %dma_start3A_100 = arith.constant 13 : i32
    %dma_start3A_101 = arith.constant 0 : i32
    %dma_start3A_102 = tpu.memref_slice %arg3[%dma_start3A_100, %mul3A_2, %dma_start3A_101] : memref<32x1024x1024xf32, #tpu.memory_space<hbm>> -> memref<1x32x1024xf32, #tpu.memory_space<hbm>>
    %dma_start3A_103 = tpu.memref_squeeze %dma_start3A_102 : memref<1x32x1024xf32, #tpu.memory_space<hbm>> -> memref<32x1024xf32, #tpu.memory_space<hbm>>
    %dma_start3A_104 = arith.constant 0 : i32
    %dma_start3A_105 = tpu.memref_slice %arg3[%dma_start3A_100, %mul3A_2, %dma_start3A_104] : memref<32x1024x1024xf32, #tpu.memory_space<hbm>> -> memref<1x32x1024xf32, #tpu.memory_space<hbm>>
    %dma_start3A_106 = tpu.memref_squeeze %dma_start3A_105 : memref<1x32x1024xf32, #tpu.memory_space<hbm>> -> memref<32x1024xf32, #tpu.memory_space<hbm>>
    tpu.enqueue_dma source(%arg4 : memref<32x1024xf32, #tpu.memory_space<vmem>>) target(%dma_start3A_106 : memref<32x1024xf32, #tpu.memory_space<hbm>>) target_semaphore(%arg6 : memref<!tpu.dma_semaphore, #tpu.memory_space<semaphore_mem>>)
    %dma_start3A_107 = arith.constant 14 : i32
    %dma_start3A_108 = arith.constant 0 : i32
    %dma_start3A_109 = tpu.memref_slice %arg3[%dma_start3A_107, %mul3A_2, %dma_start3A_108] : memref<32x1024x1024xf32, #tpu.memory_space<hbm>> -> memref<1x32x1024xf32, #tpu.memory_space<hbm>>
    %dma_start3A_110 = tpu.memref_squeeze %dma_start3A_109 : memref<1x32x1024xf32, #tpu.memory_space<hbm>> -> memref<32x1024xf32, #tpu.memory_space<hbm>>
    %dma_start3A_111 = arith.constant 0 : i32
    %dma_start3A_112 = tpu.memref_slice %arg3[%dma_start3A_107, %mul3A_2, %dma_start3A_111] : memref<32x1024x1024xf32, #tpu.memory_space<hbm>> -> memref<1x32x1024xf32, #tpu.memory_space<hbm>>
    %dma_start3A_113 = tpu.memref_squeeze %dma_start3A_112 : memref<1x32x1024xf32, #tpu.memory_space<hbm>> -> memref<32x1024xf32, #tpu.memory_space<hbm>>
    tpu.enqueue_dma source(%arg4 : memref<32x1024xf32, #tpu.memory_space<vmem>>) target(%dma_start3A_113 : memref<32x1024xf32, #tpu.memory_space<hbm>>) target_semaphore(%arg6 : memref<!tpu.dma_semaphore, #tpu.memory_space<semaphore_mem>>)
    %dma_start3A_114 = arith.constant 15 : i32
    %dma_start3A_115 = arith.constant 0 : i32
    %dma_start3A_116 = tpu.memref_slice %arg3[%dma_start3A_114, %mul3A_2, %dma_start3A_115] : memref<32x1024x1024xf32, #tpu.memory_space<hbm>> -> memref<1x32x1024xf32, #tpu.memory_space<hbm>>
    %dma_start3A_117 = tpu.memref_squeeze %dma_start3A_116 : memref<1x32x1024xf32, #tpu.memory_space<hbm>> -> memref<32x1024xf32, #tpu.memory_space<hbm>>
    %dma_start3A_118 = arith.constant 0 : i32
    %dma_start3A_119 = tpu.memref_slice %arg3[%dma_start3A_114, %mul3A_2, %dma_start3A_118] : memref<32x1024x1024xf32, #tpu.memory_space<hbm>> -> memref<1x32x1024xf32, #tpu.memory_space<hbm>>
    %dma_start3A_120 = tpu.memref_squeeze %dma_start3A_119 : memref<1x32x1024xf32, #tpu.memory_space<hbm>> -> memref<32x1024xf32, #tpu.memory_space<hbm>>
    tpu.enqueue_dma source(%arg4 : memref<32x1024xf32, #tpu.memory_space<vmem>>) target(%dma_start3A_120 : memref<32x1024xf32, #tpu.memory_space<hbm>>) target_semaphore(%arg6 : memref<!tpu.dma_semaphore, #tpu.memory_space<semaphore_mem>>)
    %dma_start3A_121 = arith.constant 16 : i32
    %dma_start3A_122 = arith.constant 0 : i32
    %dma_start3A_123 = tpu.memref_slice %arg3[%dma_start3A_121, %mul3A_2, %dma_start3A_122] : memref<32x1024x1024xf32, #tpu.memory_space<hbm>> -> memref<1x32x1024xf32, #tpu.memory_space<hbm>>
    %dma_start3A_124 = tpu.memref_squeeze %dma_start3A_123 : memref<1x32x1024xf32, #tpu.memory_space<hbm>> -> memref<32x1024xf32, #tpu.memory_space<hbm>>
    %dma_start3A_125 = arith.constant 0 : i32
    %dma_start3A_126 = tpu.memref_slice %arg3[%dma_start3A_121, %mul3A_2, %dma_start3A_125] : memref<32x1024x1024xf32, #tpu.memory_space<hbm>> -> memref<1x32x1024xf32, #tpu.memory_space<hbm>>
    %dma_start3A_127 = tpu.memref_squeeze %dma_start3A_126 : memref<1x32x1024xf32, #tpu.memory_space<hbm>> -> memref<32x1024xf32, #tpu.memory_space<hbm>>
    tpu.enqueue_dma source(%arg4 : memref<32x1024xf32, #tpu.memory_space<vmem>>) target(%dma_start3A_127 : memref<32x1024xf32, #tpu.memory_space<hbm>>) target_semaphore(%arg6 : memref<!tpu.dma_semaphore, #tpu.memory_space<semaphore_mem>>)
    %dma_start3A_128 = arith.constant 17 : i32
    %dma_start3A_129 = arith.constant 0 : i32
    %dma_start3A_130 = tpu.memref_slice %arg3[%dma_start3A_128, %mul3A_2, %dma_start3A_129] : memref<32x1024x1024xf32, #tpu.memory_space<hbm>> -> memref<1x32x1024xf32, #tpu.memory_space<hbm>>
    %dma_start3A_131 = tpu.memref_squeeze %dma_start3A_130 : memref<1x32x1024xf32, #tpu.memory_space<hbm>> -> memref<32x1024xf32, #tpu.memory_space<hbm>>
    %dma_start3A_132 = arith.constant 0 : i32
    %dma_start3A_133 = tpu.memref_slice %arg3[%dma_start3A_128, %mul3A_2, %dma_start3A_132] : memref<32x1024x1024xf32, #tpu.memory_space<hbm>> -> memref<1x32x1024xf32, #tpu.memory_space<hbm>>
    %dma_start3A_134 = tpu.memref_squeeze %dma_start3A_133 : memref<1x32x1024xf32, #tpu.memory_space<hbm>> -> memref<32x1024xf32, #tpu.memory_space<hbm>>
    tpu.enqueue_dma source(%arg4 : memref<32x1024xf32, #tpu.memory_space<vmem>>) target(%dma_start3A_134 : memref<32x1024xf32, #tpu.memory_space<hbm>>) target_semaphore(%arg6 : memref<!tpu.dma_semaphore, #tpu.memory_space<semaphore_mem>>)
    %dma_start3A_135 = arith.constant 18 : i32
    %dma_start3A_136 = arith.constant 0 : i32
    %dma_start3A_137 = tpu.memref_slice %arg3[%dma_start3A_135, %mul3A_2, %dma_start3A_136] : memref<32x1024x1024xf32, #tpu.memory_space<hbm>> -> memref<1x32x1024xf32, #tpu.memory_space<hbm>>
    %dma_start3A_138 = tpu.memref_squeeze %dma_start3A_137 : memref<1x32x1024xf32, #tpu.memory_space<hbm>> -> memref<32x1024xf32, #tpu.memory_space<hbm>>
    %dma_start3A_139 = arith.constant 0 : i32
    %dma_start3A_140 = tpu.memref_slice %arg3[%dma_start3A_135, %mul3A_2, %dma_start3A_139] : memref<32x1024x1024xf32, #tpu.memory_space<hbm>> -> memref<1x32x1024xf32, #tpu.memory_space<hbm>>
    %dma_start3A_141 = tpu.memref_squeeze %dma_start3A_140 : memref<1x32x1024xf32, #tpu.memory_space<hbm>> -> memref<32x1024xf32, #tpu.memory_space<hbm>>
    tpu.enqueue_dma source(%arg4 : memref<32x1024xf32, #tpu.memory_space<vmem>>) target(%dma_start3A_141 : memref<32x1024xf32, #tpu.memory_space<hbm>>) target_semaphore(%arg6 : memref<!tpu.dma_semaphore, #tpu.memory_space<semaphore_mem>>)
    %dma_start3A_142 = arith.constant 19 : i32
    %dma_start3A_143 = arith.constant 0 : i32
    %dma_start3A_144 = tpu.memref_slice %arg3[%dma_start3A_142, %mul3A_2, %dma_start3A_143] : memref<32x1024x1024xf32, #tpu.memory_space<hbm>> -> memref<1x32x1024xf32, #tpu.memory_space<hbm>>
    %dma_start3A_145 = tpu.memref_squeeze %dma_start3A_144 : memref<1x32x1024xf32, #tpu.memory_space<hbm>> -> memref<32x1024xf32, #tpu.memory_space<hbm>>
    %dma_start3A_146 = arith.constant 0 : i32
    %dma_start3A_147 = tpu.memref_slice %arg3[%dma_start3A_142, %mul3A_2, %dma_start3A_146] : memref<32x1024x1024xf32, #tpu.memory_space<hbm>> -> memref<1x32x1024xf32, #tpu.memory_space<hbm>>
    %dma_start3A_148 = tpu.memref_squeeze %dma_start3A_147 : memref<1x32x1024xf32, #tpu.memory_space<hbm>> -> memref<32x1024xf32, #tpu.memory_space<hbm>>
    tpu.enqueue_dma source(%arg4 : memref<32x1024xf32, #tpu.memory_space<vmem>>) target(%dma_start3A_148 : memref<32x1024xf32, #tpu.memory_space<hbm>>) target_semaphore(%arg6 : memref<!tpu.dma_semaphore, #tpu.memory_space<semaphore_mem>>)
    %dma_start3A_149 = arith.constant 20 : i32
    %dma_start3A_150 = arith.constant 0 : i32
    %dma_start3A_151 = tpu.memref_slice %arg3[%dma_start3A_149, %mul3A_2, %dma_start3A_150] : memref<32x1024x1024xf32, #tpu.memory_space<hbm>> -> memref<1x32x1024xf32, #tpu.memory_space<hbm>>
    %dma_start3A_152 = tpu.memref_squeeze %dma_start3A_151 : memref<1x32x1024xf32, #tpu.memory_space<hbm>> -> memref<32x1024xf32, #tpu.memory_space<hbm>>
    %dma_start3A_153 = arith.constant 0 : i32
    %dma_start3A_154 = tpu.memref_slice %arg3[%dma_start3A_149, %mul3A_2, %dma_start3A_153] : memref<32x1024x1024xf32, #tpu.memory_space<hbm>> -> memref<1x32x1024xf32, #tpu.memory_space<hbm>>
    %dma_start3A_155 = tpu.memref_squeeze %dma_start3A_154 : memref<1x32x1024xf32, #tpu.memory_space<hbm>> -> memref<32x1024xf32, #tpu.memory_space<hbm>>
    tpu.enqueue_dma source(%arg4 : memref<32x1024xf32, #tpu.memory_space<vmem>>) target(%dma_start3A_155 : memref<32x1024xf32, #tpu.memory_space<hbm>>) target_semaphore(%arg6 : memref<!tpu.dma_semaphore, #tpu.memory_space<semaphore_mem>>)
    %dma_start3A_156 = arith.constant 21 : i32
    %dma_start3A_157 = arith.constant 0 : i32
    %dma_start3A_158 = tpu.memref_slice %arg3[%dma_start3A_156, %mul3A_2, %dma_start3A_157] : memref<32x1024x1024xf32, #tpu.memory_space<hbm>> -> memref<1x32x1024xf32, #tpu.memory_space<hbm>>
    %dma_start3A_159 = tpu.memref_squeeze %dma_start3A_158 : memref<1x32x1024xf32, #tpu.memory_space<hbm>> -> memref<32x1024xf32, #tpu.memory_space<hbm>>
    %dma_start3A_160 = arith.constant 0 : i32
    %dma_start3A_161 = tpu.memref_slice %arg3[%dma_start3A_156, %mul3A_2, %dma_start3A_160] : memref<32x1024x1024xf32, #tpu.memory_space<hbm>> -> memref<1x32x1024xf32, #tpu.memory_space<hbm>>
    %dma_start3A_162 = tpu.memref_squeeze %dma_start3A_161 : memref<1x32x1024xf32, #tpu.memory_space<hbm>> -> memref<32x1024xf32, #tpu.memory_space<hbm>>
    tpu.enqueue_dma source(%arg4 : memref<32x1024xf32, #tpu.memory_space<vmem>>) target(%dma_start3A_162 : memref<32x1024xf32, #tpu.memory_space<hbm>>) target_semaphore(%arg6 : memref<!tpu.dma_semaphore, #tpu.memory_space<semaphore_mem>>)
    %dma_start3A_163 = arith.constant 22 : i32
    %dma_start3A_164 = arith.constant 0 : i32
    %dma_start3A_165 = tpu.memref_slice %arg3[%dma_start3A_163, %mul3A_2, %dma_start3A_164] : memref<32x1024x1024xf32, #tpu.memory_space<hbm>> -> memref<1x32x1024xf32, #tpu.memory_space<hbm>>
    %dma_start3A_166 = tpu.memref_squeeze %dma_start3A_165 : memref<1x32x1024xf32, #tpu.memory_space<hbm>> -> memref<32x1024xf32, #tpu.memory_space<hbm>>
    %dma_start3A_167 = arith.constant 0 : i32
    %dma_start3A_168 = tpu.memref_slice %arg3[%dma_start3A_163, %mul3A_2, %dma_start3A_167] : memref<32x1024x1024xf32, #tpu.memory_space<hbm>> -> memref<1x32x1024xf32, #tpu.memory_space<hbm>>
    %dma_start3A_169 = tpu.memref_squeeze %dma_start3A_168 : memref<1x32x1024xf32, #tpu.memory_space<hbm>> -> memref<32x1024xf32, #tpu.memory_space<hbm>>
    tpu.enqueue_dma source(%arg4 : memref<32x1024xf32, #tpu.memory_space<vmem>>) target(%dma_start3A_169 : memref<32x1024xf32, #tpu.memory_space<hbm>>) target_semaphore(%arg6 : memref<!tpu.dma_semaphore, #tpu.memory_space<semaphore_mem>>)
    %dma_start3A_170 = arith.constant 23 : i32
    %dma_start3A_171 = arith.constant 0 : i32
    %dma_start3A_172 = tpu.memref_slice %arg3[%dma_start3A_170, %mul3A_2, %dma_start3A_171] : memref<32x1024x1024xf32, #tpu.memory_space<hbm>> -> memref<1x32x1024xf32, #tpu.memory_space<hbm>>
    %dma_start3A_173 = tpu.memref_squeeze %dma_start3A_172 : memref<1x32x1024xf32, #tpu.memory_space<hbm>> -> memref<32x1024xf32, #tpu.memory_space<hbm>>
    %dma_start3A_174 = arith.constant 0 : i32
    %dma_start3A_175 = tpu.memref_slice %arg3[%dma_start3A_170, %mul3A_2, %dma_start3A_174] : memref<32x1024x1024xf32, #tpu.memory_space<hbm>> -> memref<1x32x1024xf32, #tpu.memory_space<hbm>>
    %dma_start3A_176 = tpu.memref_squeeze %dma_start3A_175 : memref<1x32x1024xf32, #tpu.memory_space<hbm>> -> memref<32x1024xf32, #tpu.memory_space<hbm>>
    tpu.enqueue_dma source(%arg4 : memref<32x1024xf32, #tpu.memory_space<vmem>>) target(%dma_start3A_176 : memref<32x1024xf32, #tpu.memory_space<hbm>>) target_semaphore(%arg6 : memref<!tpu.dma_semaphore, #tpu.memory_space<semaphore_mem>>)
    %dma_start3A_177 = arith.constant 24 : i32
    %dma_start3A_178 = arith.constant 0 : i32
    %dma_start3A_179 = tpu.memref_slice %arg3[%dma_start3A_177, %mul3A_2, %dma_start3A_178] : memref<32x1024x1024xf32, #tpu.memory_space<hbm>> -> memref<1x32x1024xf32, #tpu.memory_space<hbm>>
    %dma_start3A_180 = tpu.memref_squeeze %dma_start3A_179 : memref<1x32x1024xf32, #tpu.memory_space<hbm>> -> memref<32x1024xf32, #tpu.memory_space<hbm>>
    %dma_start3A_181 = arith.constant 0 : i32
    %dma_start3A_182 = tpu.memref_slice %arg3[%dma_start3A_177, %mul3A_2, %dma_start3A_181] : memref<32x1024x1024xf32, #tpu.memory_space<hbm>> -> memref<1x32x1024xf32, #tpu.memory_space<hbm>>
    %dma_start3A_183 = tpu.memref_squeeze %dma_start3A_182 : memref<1x32x1024xf32, #tpu.memory_space<hbm>> -> memref<32x1024xf32, #tpu.memory_space<hbm>>
    tpu.enqueue_dma source(%arg4 : memref<32x1024xf32, #tpu.memory_space<vmem>>) target(%dma_start3A_183 : memref<32x1024xf32, #tpu.memory_space<hbm>>) target_semaphore(%arg6 : memref<!tpu.dma_semaphore, #tpu.memory_space<semaphore_mem>>)
    %dma_start3A_184 = arith.constant 25 : i32
    %dma_start3A_185 = arith.constant 0 : i32
    %dma_start3A_186 = tpu.memref_slice %arg3[%dma_start3A_184, %mul3A_2, %dma_start3A_185] : memref<32x1024x1024xf32, #tpu.memory_space<hbm>> -> memref<1x32x1024xf32, #tpu.memory_space<hbm>>
    %dma_start3A_187 = tpu.memref_squeeze %dma_start3A_186 : memref<1x32x1024xf32, #tpu.memory_space<hbm>> -> memref<32x1024xf32, #tpu.memory_space<hbm>>
    %dma_start3A_188 = arith.constant 0 : i32
    %dma_start3A_189 = tpu.memref_slice %arg3[%dma_start3A_184, %mul3A_2, %dma_start3A_188] : memref<32x1024x1024xf32, #tpu.memory_space<hbm>> -> memref<1x32x1024xf32, #tpu.memory_space<hbm>>
    %dma_start3A_190 = tpu.memref_squeeze %dma_start3A_189 : memref<1x32x1024xf32, #tpu.memory_space<hbm>> -> memref<32x1024xf32, #tpu.memory_space<hbm>>
    tpu.enqueue_dma source(%arg4 : memref<32x1024xf32, #tpu.memory_space<vmem>>) target(%dma_start3A_190 : memref<32x1024xf32, #tpu.memory_space<hbm>>) target_semaphore(%arg6 : memref<!tpu.dma_semaphore, #tpu.memory_space<semaphore_mem>>)
    %dma_start3A_191 = arith.constant 26 : i32
    %dma_start3A_192 = arith.constant 0 : i32
    %dma_start3A_193 = tpu.memref_slice %arg3[%dma_start3A_191, %mul3A_2, %dma_start3A_192] : memref<32x1024x1024xf32, #tpu.memory_space<hbm>> -> memref<1x32x1024xf32, #tpu.memory_space<hbm>>
    %dma_start3A_194 = tpu.memref_squeeze %dma_start3A_193 : memref<1x32x1024xf32, #tpu.memory_space<hbm>> -> memref<32x1024xf32, #tpu.memory_space<hbm>>
    %dma_start3A_195 = arith.constant 0 : i32
    %dma_start3A_196 = tpu.memref_slice %arg3[%dma_start3A_191, %mul3A_2, %dma_start3A_195] : memref<32x1024x1024xf32, #tpu.memory_space<hbm>> -> memref<1x32x1024xf32, #tpu.memory_space<hbm>>
    %dma_start3A_197 = tpu.memref_squeeze %dma_start3A_196 : memref<1x32x1024xf32, #tpu.memory_space<hbm>> -> memref<32x1024xf32, #tpu.memory_space<hbm>>
    tpu.enqueue_dma source(%arg4 : memref<32x1024xf32, #tpu.memory_space<vmem>>) target(%dma_start3A_197 : memref<32x1024xf32, #tpu.memory_space<hbm>>) target_semaphore(%arg6 : memref<!tpu.dma_semaphore, #tpu.memory_space<semaphore_mem>>)
    %dma_start3A_198 = arith.constant 27 : i32
    %dma_start3A_199 = arith.constant 0 : i32
    %dma_start3A_200 = tpu.memref_slice %arg3[%dma_start3A_198, %mul3A_2, %dma_start3A_199] : memref<32x1024x1024xf32, #tpu.memory_space<hbm>> -> memref<1x32x1024xf32, #tpu.memory_space<hbm>>
    %dma_start3A_201 = tpu.memref_squeeze %dma_start3A_200 : memref<1x32x1024xf32, #tpu.memory_space<hbm>> -> memref<32x1024xf32, #tpu.memory_space<hbm>>
    %dma_start3A_202 = arith.constant 0 : i32
    %dma_start3A_203 = tpu.memref_slice %arg3[%dma_start3A_198, %mul3A_2, %dma_start3A_202] : memref<32x1024x1024xf32, #tpu.memory_space<hbm>> -> memref<1x32x1024xf32, #tpu.memory_space<hbm>>
    %dma_start3A_204 = tpu.memref_squeeze %dma_start3A_203 : memref<1x32x1024xf32, #tpu.memory_space<hbm>> -> memref<32x1024xf32, #tpu.memory_space<hbm>>
    tpu.enqueue_dma source(%arg4 : memref<32x1024xf32, #tpu.memory_space<vmem>>) target(%dma_start3A_204 : memref<32x1024xf32, #tpu.memory_space<hbm>>) target_semaphore(%arg6 : memref<!tpu.dma_semaphore, #tpu.memory_space<semaphore_mem>>)
    %dma_start3A_205 = arith.constant 28 : i32
    %dma_start3A_206 = arith.constant 0 : i32
    %dma_start3A_207 = tpu.memref_slice %arg3[%dma_start3A_205, %mul3A_2, %dma_start3A_206] : memref<32x1024x1024xf32, #tpu.memory_space<hbm>> -> memref<1x32x1024xf32, #tpu.memory_space<hbm>>
    %dma_start3A_208 = tpu.memref_squeeze %dma_start3A_207 : memref<1x32x1024xf32, #tpu.memory_space<hbm>> -> memref<32x1024xf32, #tpu.memory_space<hbm>>
    %dma_start3A_209 = arith.constant 0 : i32
    %dma_start3A_210 = tpu.memref_slice %arg3[%dma_start3A_205, %mul3A_2, %dma_start3A_209] : memref<32x1024x1024xf32, #tpu.memory_space<hbm>> -> memref<1x32x1024xf32, #tpu.memory_space<hbm>>
    %dma_start3A_211 = tpu.memref_squeeze %dma_start3A_210 : memref<1x32x1024xf32, #tpu.memory_space<hbm>> -> memref<32x1024xf32, #tpu.memory_space<hbm>>
    tpu.enqueue_dma source(%arg4 : memref<32x1024xf32, #tpu.memory_space<vmem>>) target(%dma_start3A_211 : memref<32x1024xf32, #tpu.memory_space<hbm>>) target_semaphore(%arg6 : memref<!tpu.dma_semaphore, #tpu.memory_space<semaphore_mem>>)
    %dma_start3A_212 = arith.constant 29 : i32
    %dma_start3A_213 = arith.constant 0 : i32
    %dma_start3A_214 = tpu.memref_slice %arg3[%dma_start3A_212, %mul3A_2, %dma_start3A_213] : memref<32x1024x1024xf32, #tpu.memory_space<hbm>> -> memref<1x32x1024xf32, #tpu.memory_space<hbm>>
    %dma_start3A_215 = tpu.memref_squeeze %dma_start3A_214 : memref<1x32x1024xf32, #tpu.memory_space<hbm>> -> memref<32x1024xf32, #tpu.memory_space<hbm>>
    %dma_start3A_216 = arith.constant 0 : i32
    %dma_start3A_217 = tpu.memref_slice %arg3[%dma_start3A_212, %mul3A_2, %dma_start3A_216] : memref<32x1024x1024xf32, #tpu.memory_space<hbm>> -> memref<1x32x1024xf32, #tpu.memory_space<hbm>>
    %dma_start3A_218 = tpu.memref_squeeze %dma_start3A_217 : memref<1x32x1024xf32, #tpu.memory_space<hbm>> -> memref<32x1024xf32, #tpu.memory_space<hbm>>
    tpu.enqueue_dma source(%arg4 : memref<32x1024xf32, #tpu.memory_space<vmem>>) target(%dma_start3A_218 : memref<32x1024xf32, #tpu.memory_space<hbm>>) target_semaphore(%arg6 : memref<!tpu.dma_semaphore, #tpu.memory_space<semaphore_mem>>)
    %dma_start3A_219 = arith.constant 30 : i32
    %dma_start3A_220 = arith.constant 0 : i32
    %dma_start3A_221 = tpu.memref_slice %arg3[%dma_start3A_219, %mul3A_2, %dma_start3A_220] : memref<32x1024x1024xf32, #tpu.memory_space<hbm>> -> memref<1x32x1024xf32, #tpu.memory_space<hbm>>
    %dma_start3A_222 = tpu.memref_squeeze %dma_start3A_221 : memref<1x32x1024xf32, #tpu.memory_space<hbm>> -> memref<32x1024xf32, #tpu.memory_space<hbm>>
    %dma_start3A_223 = arith.constant 0 : i32
    %dma_start3A_224 = tpu.memref_slice %arg3[%dma_start3A_219, %mul3A_2, %dma_start3A_223] : memref<32x1024x1024xf32, #tpu.memory_space<hbm>> -> memref<1x32x1024xf32, #tpu.memory_space<hbm>>
    %dma_start3A_225 = tpu.memref_squeeze %dma_start3A_224 : memref<1x32x1024xf32, #tpu.memory_space<hbm>> -> memref<32x1024xf32, #tpu.memory_space<hbm>>
    tpu.enqueue_dma source(%arg4 : memref<32x1024xf32, #tpu.memory_space<vmem>>) target(%dma_start3A_225 : memref<32x1024xf32, #tpu.memory_space<hbm>>) target_semaphore(%arg6 : memref<!tpu.dma_semaphore, #tpu.memory_space<semaphore_mem>>)
    %dma_start3A_226 = arith.constant 31 : i32
    %dma_start3A_227 = arith.constant 0 : i32
    %dma_start3A_228 = tpu.memref_slice %arg3[%dma_start3A_226, %mul3A_2, %dma_start3A_227] : memref<32x1024x1024xf32, #tpu.memory_space<hbm>> -> memref<1x32x1024xf32, #tpu.memory_space<hbm>>
    %dma_start3A_229 = tpu.memref_squeeze %dma_start3A_228 : memref<1x32x1024xf32, #tpu.memory_space<hbm>> -> memref<32x1024xf32, #tpu.memory_space<hbm>>
    %dma_start3A_230 = arith.constant 0 : i32
    %dma_start3A_231 = tpu.memref_slice %arg3[%dma_start3A_226, %mul3A_2, %dma_start3A_230] : memref<32x1024x1024xf32, #tpu.memory_space<hbm>> -> memref<1x32x1024xf32, #tpu.memory_space<hbm>>
    %dma_start3A_232 = tpu.memref_squeeze %dma_start3A_231 : memref<1x32x1024xf32, #tpu.memory_space<hbm>> -> memref<32x1024xf32, #tpu.memory_space<hbm>>
    tpu.enqueue_dma source(%arg4 : memref<32x1024xf32, #tpu.memory_space<vmem>>) target(%dma_start3A_232 : memref<32x1024xf32, #tpu.memory_space<hbm>>) target_semaphore(%arg6 : memref<!tpu.dma_semaphore, #tpu.memory_space<semaphore_mem>>)
    %dma_wait3A_233 = arith.constant 0 : i32
    %dma_wait3A_234 = arith.constant 0 : i32
    %dma_wait3A_235 = tpu.memref_slice %arg3[%dma_wait3A_233, %mul3A_2, %dma_wait3A_234] : memref<32x1024x1024xf32, #tpu.memory_space<hbm>> -> memref<1x32x1024xf32, #tpu.memory_space<hbm>>
    %dma_wait3A_236 = tpu.memref_squeeze %dma_wait3A_235 : memref<1x32x1024xf32, #tpu.memory_space<hbm>> -> memref<32x1024xf32, #tpu.memory_space<hbm>>
    %dma_wait3A_237 = arith.constant 0 : i32
    %dma_wait3A_238 = tpu.memref_slice %arg3[%dma_wait3A_233, %mul3A_2, %dma_wait3A_237] : memref<32x1024x1024xf32, #tpu.memory_space<hbm>> -> memref<1x32x1024xf32, #tpu.memory_space<hbm>>
    %dma_wait3A_239 = tpu.memref_squeeze %dma_wait3A_238 : memref<1x32x1024xf32, #tpu.memory_space<hbm>> -> memref<32x1024xf32, #tpu.memory_space<hbm>>
    tpu.wait_dma2 semaphore(%arg6 : memref<!tpu.dma_semaphore, #tpu.memory_space<semaphore_mem>>) src(%arg4 : memref<32x1024xf32, #tpu.memory_space<vmem>>) dst(%dma_wait3A_239 : memref<32x1024xf32, #tpu.memory_space<hbm>>)
    %dma_wait3A_240 = arith.constant 1 : i32
    %dma_wait3A_241 = arith.constant 0 : i32
    %dma_wait3A_242 = tpu.memref_slice %arg3[%dma_wait3A_240, %mul3A_2, %dma_wait3A_241] : memref<32x1024x1024xf32, #tpu.memory_space<hbm>> -> memref<1x32x1024xf32, #tpu.memory_space<hbm>>
    %dma_wait3A_243 = tpu.memref_squeeze %dma_wait3A_242 : memref<1x32x1024xf32, #tpu.memory_space<hbm>> -> memref<32x1024xf32, #tpu.memory_space<hbm>>
    %dma_wait3A_244 = arith.constant 0 : i32
    %dma_wait3A_245 = tpu.memref_slice %arg3[%dma_wait3A_240, %mul3A_2, %dma_wait3A_244] : memref<32x1024x1024xf32, #tpu.memory_space<hbm>> -> memref<1x32x1024xf32, #tpu.memory_space<hbm>>
    %dma_wait3A_246 = tpu.memref_squeeze %dma_wait3A_245 : memref<1x32x1024xf32, #tpu.memory_space<hbm>> -> memref<32x1024xf32, #tpu.memory_space<hbm>>
    tpu.wait_dma2 semaphore(%arg6 : memref<!tpu.dma_semaphore, #tpu.memory_space<semaphore_mem>>) src(%arg4 : memref<32x1024xf32, #tpu.memory_space<vmem>>) dst(%dma_wait3A_246 : memref<32x1024xf32, #tpu.memory_space<hbm>>)
    %dma_wait3A_247 = arith.constant 2 : i32
    %dma_wait3A_248 = arith.constant 0 : i32
    %dma_wait3A_249 = tpu.memref_slice %arg3[%dma_wait3A_247, %mul3A_2, %dma_wait3A_248] : memref<32x1024x1024xf32, #tpu.memory_space<hbm>> -> memref<1x32x1024xf32, #tpu.memory_space<hbm>>
    %dma_wait3A_250 = tpu.memref_squeeze %dma_wait3A_249 : memref<1x32x1024xf32, #tpu.memory_space<hbm>> -> memref<32x1024xf32, #tpu.memory_space<hbm>>
    %dma_wait3A_251 = arith.constant 0 : i32
    %dma_wait3A_252 = tpu.memref_slice %arg3[%dma_wait3A_247, %mul3A_2, %dma_wait3A_251] : memref<32x1024x1024xf32, #tpu.memory_space<hbm>> -> memref<1x32x1024xf32, #tpu.memory_space<hbm>>
    %dma_wait3A_253 = tpu.memref_squeeze %dma_wait3A_252 : memref<1x32x1024xf32, #tpu.memory_space<hbm>> -> memref<32x1024xf32, #tpu.memory_space<hbm>>
    tpu.wait_dma2 semaphore(%arg6 : memref<!tpu.dma_semaphore, #tpu.memory_space<semaphore_mem>>) src(%arg4 : memref<32x1024xf32, #tpu.memory_space<vmem>>) dst(%dma_wait3A_253 : memref<32x1024xf32, #tpu.memory_space<hbm>>)
    %dma_wait3A_254 = arith.constant 3 : i32
    %dma_wait3A_255 = arith.constant 0 : i32
    %dma_wait3A_256 = tpu.memref_slice %arg3[%dma_wait3A_254, %mul3A_2, %dma_wait3A_255] : memref<32x1024x1024xf32, #tpu.memory_space<hbm>> -> memref<1x32x1024xf32, #tpu.memory_space<hbm>>
    %dma_wait3A_257 = tpu.memref_squeeze %dma_wait3A_256 : memref<1x32x1024xf32, #tpu.memory_space<hbm>> -> memref<32x1024xf32, #tpu.memory_space<hbm>>
    %dma_wait3A_258 = arith.constant 0 : i32
    %dma_wait3A_259 = tpu.memref_slice %arg3[%dma_wait3A_254, %mul3A_2, %dma_wait3A_258] : memref<32x1024x1024xf32, #tpu.memory_space<hbm>> -> memref<1x32x1024xf32, #tpu.memory_space<hbm>>
    %dma_wait3A_260 = tpu.memref_squeeze %dma_wait3A_259 : memref<1x32x1024xf32, #tpu.memory_space<hbm>> -> memref<32x1024xf32, #tpu.memory_space<hbm>>
    tpu.wait_dma2 semaphore(%arg6 : memref<!tpu.dma_semaphore, #tpu.memory_space<semaphore_mem>>) src(%arg4 : memref<32x1024xf32, #tpu.memory_space<vmem>>) dst(%dma_wait3A_260 : memref<32x1024xf32, #tpu.memory_space<hbm>>)
    %dma_wait3A_261 = arith.constant 4 : i32
    %dma_wait3A_262 = arith.constant 0 : i32
    %dma_wait3A_263 = tpu.memref_slice %arg3[%dma_wait3A_261, %mul3A_2, %dma_wait3A_262] : memref<32x1024x1024xf32, #tpu.memory_space<hbm>> -> memref<1x32x1024xf32, #tpu.memory_space<hbm>>
    %dma_wait3A_264 = tpu.memref_squeeze %dma_wait3A_263 : memref<1x32x1024xf32, #tpu.memory_space<hbm>> -> memref<32x1024xf32, #tpu.memory_space<hbm>>
    %dma_wait3A_265 = arith.constant 0 : i32
    %dma_wait3A_266 = tpu.memref_slice %arg3[%dma_wait3A_261, %mul3A_2, %dma_wait3A_265] : memref<32x1024x1024xf32, #tpu.memory_space<hbm>> -> memref<1x32x1024xf32, #tpu.memory_space<hbm>>
    %dma_wait3A_267 = tpu.memref_squeeze %dma_wait3A_266 : memref<1x32x1024xf32, #tpu.memory_space<hbm>> -> memref<32x1024xf32, #tpu.memory_space<hbm>>
    tpu.wait_dma2 semaphore(%arg6 : memref<!tpu.dma_semaphore, #tpu.memory_space<semaphore_mem>>) src(%arg4 : memref<32x1024xf32, #tpu.memory_space<vmem>>) dst(%dma_wait3A_267 : memref<32x1024xf32, #tpu.memory_space<hbm>>)
    %dma_wait3A_268 = arith.constant 5 : i32
    %dma_wait3A_269 = arith.constant 0 : i32
    %dma_wait3A_270 = tpu.memref_slice %arg3[%dma_wait3A_268, %mul3A_2, %dma_wait3A_269] : memref<32x1024x1024xf32, #tpu.memory_space<hbm>> -> memref<1x32x1024xf32, #tpu.memory_space<hbm>>
    %dma_wait3A_271 = tpu.memref_squeeze %dma_wait3A_270 : memref<1x32x1024xf32, #tpu.memory_space<hbm>> -> memref<32x1024xf32, #tpu.memory_space<hbm>>
    %dma_wait3A_272 = arith.constant 0 : i32
    %dma_wait3A_273 = tpu.memref_slice %arg3[%dma_wait3A_268, %mul3A_2, %dma_wait3A_272] : memref<32x1024x1024xf32, #tpu.memory_space<hbm>> -> memref<1x32x1024xf32, #tpu.memory_space<hbm>>
    %dma_wait3A_274 = tpu.memref_squeeze %dma_wait3A_273 : memref<1x32x1024xf32, #tpu.memory_space<hbm>> -> memref<32x1024xf32, #tpu.memory_space<hbm>>
    tpu.wait_dma2 semaphore(%arg6 : memref<!tpu.dma_semaphore, #tpu.memory_space<semaphore_mem>>) src(%arg4 : memref<32x1024xf32, #tpu.memory_space<vmem>>) dst(%dma_wait3A_274 : memref<32x1024xf32, #tpu.memory_space<hbm>>)
    %dma_wait3A_275 = arith.constant 6 : i32
    %dma_wait3A_276 = arith.constant 0 : i32
    %dma_wait3A_277 = tpu.memref_slice %arg3[%dma_wait3A_275, %mul3A_2, %dma_wait3A_276] : memref<32x1024x1024xf32, #tpu.memory_space<hbm>> -> memref<1x32x1024xf32, #tpu.memory_space<hbm>>
    %dma_wait3A_278 = tpu.memref_squeeze %dma_wait3A_277 : memref<1x32x1024xf32, #tpu.memory_space<hbm>> -> memref<32x1024xf32, #tpu.memory_space<hbm>>
    %dma_wait3A_279 = arith.constant 0 : i32
    %dma_wait3A_280 = tpu.memref_slice %arg3[%dma_wait3A_275, %mul3A_2, %dma_wait3A_279] : memref<32x1024x1024xf32, #tpu.memory_space<hbm>> -> memref<1x32x1024xf32, #tpu.memory_space<hbm>>
    %dma_wait3A_281 = tpu.memref_squeeze %dma_wait3A_280 : memref<1x32x1024xf32, #tpu.memory_space<hbm>> -> memref<32x1024xf32, #tpu.memory_space<hbm>>
    tpu.wait_dma2 semaphore(%arg6 : memref<!tpu.dma_semaphore, #tpu.memory_space<semaphore_mem>>) src(%arg4 : memref<32x1024xf32, #tpu.memory_space<vmem>>) dst(%dma_wait3A_281 : memref<32x1024xf32, #tpu.memory_space<hbm>>)
    %dma_wait3A_282 = arith.constant 7 : i32
    %dma_wait3A_283 = arith.constant 0 : i32
    %dma_wait3A_284 = tpu.memref_slice %arg3[%dma_wait3A_282, %mul3A_2, %dma_wait3A_283] : memref<32x1024x1024xf32, #tpu.memory_space<hbm>> -> memref<1x32x1024xf32, #tpu.memory_space<hbm>>
    %dma_wait3A_285 = tpu.memref_squeeze %dma_wait3A_284 : memref<1x32x1024xf32, #tpu.memory_space<hbm>> -> memref<32x1024xf32, #tpu.memory_space<hbm>>
    %dma_wait3A_286 = arith.constant 0 : i32
    %dma_wait3A_287 = tpu.memref_slice %arg3[%dma_wait3A_282, %mul3A_2, %dma_wait3A_286] : memref<32x1024x1024xf32, #tpu.memory_space<hbm>> -> memref<1x32x1024xf32, #tpu.memory_space<hbm>>
    %dma_wait3A_288 = tpu.memref_squeeze %dma_wait3A_287 : memref<1x32x1024xf32, #tpu.memory_space<hbm>> -> memref<32x1024xf32, #tpu.memory_space<hbm>>
    tpu.wait_dma2 semaphore(%arg6 : memref<!tpu.dma_semaphore, #tpu.memory_space<semaphore_mem>>) src(%arg4 : memref<32x1024xf32, #tpu.memory_space<vmem>>) dst(%dma_wait3A_288 : memref<32x1024xf32, #tpu.memory_space<hbm>>)
    %dma_wait3A_289 = arith.constant 8 : i32
    %dma_wait3A_290 = arith.constant 0 : i32
    %dma_wait3A_291 = tpu.memref_slice %arg3[%dma_wait3A_289, %mul3A_2, %dma_wait3A_290] : memref<32x1024x1024xf32, #tpu.memory_space<hbm>> -> memref<1x32x1024xf32, #tpu.memory_space<hbm>>
    %dma_wait3A_292 = tpu.memref_squeeze %dma_wait3A_291 : memref<1x32x1024xf32, #tpu.memory_space<hbm>> -> memref<32x1024xf32, #tpu.memory_space<hbm>>
    %dma_wait3A_293 = arith.constant 0 : i32
    %dma_wait3A_294 = tpu.memref_slice %arg3[%dma_wait3A_289, %mul3A_2, %dma_wait3A_293] : memref<32x1024x1024xf32, #tpu.memory_space<hbm>> -> memref<1x32x1024xf32, #tpu.memory_space<hbm>>
    %dma_wait3A_295 = tpu.memref_squeeze %dma_wait3A_294 : memref<1x32x1024xf32, #tpu.memory_space<hbm>> -> memref<32x1024xf32, #tpu.memory_space<hbm>>
    tpu.wait_dma2 semaphore(%arg6 : memref<!tpu.dma_semaphore, #tpu.memory_space<semaphore_mem>>) src(%arg4 : memref<32x1024xf32, #tpu.memory_space<vmem>>) dst(%dma_wait3A_295 : memref<32x1024xf32, #tpu.memory_space<hbm>>)
    %dma_wait3A_296 = arith.constant 9 : i32
    %dma_wait3A_297 = arith.constant 0 : i32
    %dma_wait3A_298 = tpu.memref_slice %arg3[%dma_wait3A_296, %mul3A_2, %dma_wait3A_297] : memref<32x1024x1024xf32, #tpu.memory_space<hbm>> -> memref<1x32x1024xf32, #tpu.memory_space<hbm>>
    %dma_wait3A_299 = tpu.memref_squeeze %dma_wait3A_298 : memref<1x32x1024xf32, #tpu.memory_space<hbm>> -> memref<32x1024xf32, #tpu.memory_space<hbm>>
    %dma_wait3A_300 = arith.constant 0 : i32
    %dma_wait3A_301 = tpu.memref_slice %arg3[%dma_wait3A_296, %mul3A_2, %dma_wait3A_300] : memref<32x1024x1024xf32, #tpu.memory_space<hbm>> -> memref<1x32x1024xf32, #tpu.memory_space<hbm>>
    %dma_wait3A_302 = tpu.memref_squeeze %dma_wait3A_301 : memref<1x32x1024xf32, #tpu.memory_space<hbm>> -> memref<32x1024xf32, #tpu.memory_space<hbm>>
    tpu.wait_dma2 semaphore(%arg6 : memref<!tpu.dma_semaphore, #tpu.memory_space<semaphore_mem>>) src(%arg4 : memref<32x1024xf32, #tpu.memory_space<vmem>>) dst(%dma_wait3A_302 : memref<32x1024xf32, #tpu.memory_space<hbm>>)
    %dma_wait3A_303 = arith.constant 10 : i32
    %dma_wait3A_304 = arith.constant 0 : i32
    %dma_wait3A_305 = tpu.memref_slice %arg3[%dma_wait3A_303, %mul3A_2, %dma_wait3A_304] : memref<32x1024x1024xf32, #tpu.memory_space<hbm>> -> memref<1x32x1024xf32, #tpu.memory_space<hbm>>
    %dma_wait3A_306 = tpu.memref_squeeze %dma_wait3A_305 : memref<1x32x1024xf32, #tpu.memory_space<hbm>> -> memref<32x1024xf32, #tpu.memory_space<hbm>>
    %dma_wait3A_307 = arith.constant 0 : i32
    %dma_wait3A_308 = tpu.memref_slice %arg3[%dma_wait3A_303, %mul3A_2, %dma_wait3A_307] : memref<32x1024x1024xf32, #tpu.memory_space<hbm>> -> memref<1x32x1024xf32, #tpu.memory_space<hbm>>
    %dma_wait3A_309 = tpu.memref_squeeze %dma_wait3A_308 : memref<1x32x1024xf32, #tpu.memory_space<hbm>> -> memref<32x1024xf32, #tpu.memory_space<hbm>>
    tpu.wait_dma2 semaphore(%arg6 : memref<!tpu.dma_semaphore, #tpu.memory_space<semaphore_mem>>) src(%arg4 : memref<32x1024xf32, #tpu.memory_space<vmem>>) dst(%dma_wait3A_309 : memref<32x1024xf32, #tpu.memory_space<hbm>>)
    %dma_wait3A_310 = arith.constant 11 : i32
    %dma_wait3A_311 = arith.constant 0 : i32
    %dma_wait3A_312 = tpu.memref_slice %arg3[%dma_wait3A_310, %mul3A_2, %dma_wait3A_311] : memref<32x1024x1024xf32, #tpu.memory_space<hbm>> -> memref<1x32x1024xf32, #tpu.memory_space<hbm>>
    %dma_wait3A_313 = tpu.memref_squeeze %dma_wait3A_312 : memref<1x32x1024xf32, #tpu.memory_space<hbm>> -> memref<32x1024xf32, #tpu.memory_space<hbm>>
    %dma_wait3A_314 = arith.constant 0 : i32
    %dma_wait3A_315 = tpu.memref_slice %arg3[%dma_wait3A_310, %mul3A_2, %dma_wait3A_314] : memref<32x1024x1024xf32, #tpu.memory_space<hbm>> -> memref<1x32x1024xf32, #tpu.memory_space<hbm>>
    %dma_wait3A_316 = tpu.memref_squeeze %dma_wait3A_315 : memref<1x32x1024xf32, #tpu.memory_space<hbm>> -> memref<32x1024xf32, #tpu.memory_space<hbm>>
    tpu.wait_dma2 semaphore(%arg6 : memref<!tpu.dma_semaphore, #tpu.memory_space<semaphore_mem>>) src(%arg4 : memref<32x1024xf32, #tpu.memory_space<vmem>>) dst(%dma_wait3A_316 : memref<32x1024xf32, #tpu.memory_space<hbm>>)
    %dma_wait3A_317 = arith.constant 12 : i32
    %dma_wait3A_318 = arith.constant 0 : i32
    %dma_wait3A_319 = tpu.memref_slice %arg3[%dma_wait3A_317, %mul3A_2, %dma_wait3A_318] : memref<32x1024x1024xf32, #tpu.memory_space<hbm>> -> memref<1x32x1024xf32, #tpu.memory_space<hbm>>
    %dma_wait3A_320 = tpu.memref_squeeze %dma_wait3A_319 : memref<1x32x1024xf32, #tpu.memory_space<hbm>> -> memref<32x1024xf32, #tpu.memory_space<hbm>>
    %dma_wait3A_321 = arith.constant 0 : i32
    %dma_wait3A_322 = tpu.memref_slice %arg3[%dma_wait3A_317, %mul3A_2, %dma_wait3A_321] : memref<32x1024x1024xf32, #tpu.memory_space<hbm>> -> memref<1x32x1024xf32, #tpu.memory_space<hbm>>
    %dma_wait3A_323 = tpu.memref_squeeze %dma_wait3A_322 : memref<1x32x1024xf32, #tpu.memory_space<hbm>> -> memref<32x1024xf32, #tpu.memory_space<hbm>>
    tpu.wait_dma2 semaphore(%arg6 : memref<!tpu.dma_semaphore, #tpu.memory_space<semaphore_mem>>) src(%arg4 : memref<32x1024xf32, #tpu.memory_space<vmem>>) dst(%dma_wait3A_323 : memref<32x1024xf32, #tpu.memory_space<hbm>>)
    %dma_wait3A_324 = arith.constant 13 : i32
    %dma_wait3A_325 = arith.constant 0 : i32
    %dma_wait3A_326 = tpu.memref_slice %arg3[%dma_wait3A_324, %mul3A_2, %dma_wait3A_325] : memref<32x1024x1024xf32, #tpu.memory_space<hbm>> -> memref<1x32x1024xf32, #tpu.memory_space<hbm>>
    %dma_wait3A_327 = tpu.memref_squeeze %dma_wait3A_326 : memref<1x32x1024xf32, #tpu.memory_space<hbm>> -> memref<32x1024xf32, #tpu.memory_space<hbm>>
    %dma_wait3A_328 = arith.constant 0 : i32
    %dma_wait3A_329 = tpu.memref_slice %arg3[%dma_wait3A_324, %mul3A_2, %dma_wait3A_328] : memref<32x1024x1024xf32, #tpu.memory_space<hbm>> -> memref<1x32x1024xf32, #tpu.memory_space<hbm>>
    %dma_wait3A_330 = tpu.memref_squeeze %dma_wait3A_329 : memref<1x32x1024xf32, #tpu.memory_space<hbm>> -> memref<32x1024xf32, #tpu.memory_space<hbm>>
    tpu.wait_dma2 semaphore(%arg6 : memref<!tpu.dma_semaphore, #tpu.memory_space<semaphore_mem>>) src(%arg4 : memref<32x1024xf32, #tpu.memory_space<vmem>>) dst(%dma_wait3A_330 : memref<32x1024xf32, #tpu.memory_space<hbm>>)
    %dma_wait3A_331 = arith.constant 14 : i32
    %dma_wait3A_332 = arith.constant 0 : i32
    %dma_wait3A_333 = tpu.memref_slice %arg3[%dma_wait3A_331, %mul3A_2, %dma_wait3A_332] : memref<32x1024x1024xf32, #tpu.memory_space<hbm>> -> memref<1x32x1024xf32, #tpu.memory_space<hbm>>
    %dma_wait3A_334 = tpu.memref_squeeze %dma_wait3A_333 : memref<1x32x1024xf32, #tpu.memory_space<hbm>> -> memref<32x1024xf32, #tpu.memory_space<hbm>>
    %dma_wait3A_335 = arith.constant 0 : i32
    %dma_wait3A_336 = tpu.memref_slice %arg3[%dma_wait3A_331, %mul3A_2, %dma_wait3A_335] : memref<32x1024x1024xf32, #tpu.memory_space<hbm>> -> memref<1x32x1024xf32, #tpu.memory_space<hbm>>
    %dma_wait3A_337 = tpu.memref_squeeze %dma_wait3A_336 : memref<1x32x1024xf32, #tpu.memory_space<hbm>> -> memref<32x1024xf32, #tpu.memory_space<hbm>>
    tpu.wait_dma2 semaphore(%arg6 : memref<!tpu.dma_semaphore, #tpu.memory_space<semaphore_mem>>) src(%arg4 : memref<32x1024xf32, #tpu.memory_space<vmem>>) dst(%dma_wait3A_337 : memref<32x1024xf32, #tpu.memory_space<hbm>>)
    %dma_wait3A_338 = arith.constant 15 : i32
    %dma_wait3A_339 = arith.constant 0 : i32
    %dma_wait3A_340 = tpu.memref_slice %arg3[%dma_wait3A_338, %mul3A_2, %dma_wait3A_339] : memref<32x1024x1024xf32, #tpu.memory_space<hbm>> -> memref<1x32x1024xf32, #tpu.memory_space<hbm>>
    %dma_wait3A_341 = tpu.memref_squeeze %dma_wait3A_340 : memref<1x32x1024xf32, #tpu.memory_space<hbm>> -> memref<32x1024xf32, #tpu.memory_space<hbm>>
    %dma_wait3A_342 = arith.constant 0 : i32
    %dma_wait3A_343 = tpu.memref_slice %arg3[%dma_wait3A_338, %mul3A_2, %dma_wait3A_342] : memref<32x1024x1024xf32, #tpu.memory_space<hbm>> -> memref<1x32x1024xf32, #tpu.memory_space<hbm>>
    %dma_wait3A_344 = tpu.memref_squeeze %dma_wait3A_343 : memref<1x32x1024xf32, #tpu.memory_space<hbm>> -> memref<32x1024xf32, #tpu.memory_space<hbm>>
    tpu.wait_dma2 semaphore(%arg6 : memref<!tpu.dma_semaphore, #tpu.memory_space<semaphore_mem>>) src(%arg4 : memref<32x1024xf32, #tpu.memory_space<vmem>>) dst(%dma_wait3A_344 : memref<32x1024xf32, #tpu.memory_space<hbm>>)
    %dma_wait3A_345 = arith.constant 16 : i32
    %dma_wait3A_346 = arith.constant 0 : i32
    %dma_wait3A_347 = tpu.memref_slice %arg3[%dma_wait3A_345, %mul3A_2, %dma_wait3A_346] : memref<32x1024x1024xf32, #tpu.memory_space<hbm>> -> memref<1x32x1024xf32, #tpu.memory_space<hbm>>
    %dma_wait3A_348 = tpu.memref_squeeze %dma_wait3A_347 : memref<1x32x1024xf32, #tpu.memory_space<hbm>> -> memref<32x1024xf32, #tpu.memory_space<hbm>>
    %dma_wait3A_349 = arith.constant 0 : i32
    %dma_wait3A_350 = tpu.memref_slice %arg3[%dma_wait3A_345, %mul3A_2, %dma_wait3A_349] : memref<32x1024x1024xf32, #tpu.memory_space<hbm>> -> memref<1x32x1024xf32, #tpu.memory_space<hbm>>
    %dma_wait3A_351 = tpu.memref_squeeze %dma_wait3A_350 : memref<1x32x1024xf32, #tpu.memory_space<hbm>> -> memref<32x1024xf32, #tpu.memory_space<hbm>>
    tpu.wait_dma2 semaphore(%arg6 : memref<!tpu.dma_semaphore, #tpu.memory_space<semaphore_mem>>) src(%arg4 : memref<32x1024xf32, #tpu.memory_space<vmem>>) dst(%dma_wait3A_351 : memref<32x1024xf32, #tpu.memory_space<hbm>>)
    %dma_wait3A_352 = arith.constant 17 : i32
    %dma_wait3A_353 = arith.constant 0 : i32
    %dma_wait3A_354 = tpu.memref_slice %arg3[%dma_wait3A_352, %mul3A_2, %dma_wait3A_353] : memref<32x1024x1024xf32, #tpu.memory_space<hbm>> -> memref<1x32x1024xf32, #tpu.memory_space<hbm>>
    %dma_wait3A_355 = tpu.memref_squeeze %dma_wait3A_354 : memref<1x32x1024xf32, #tpu.memory_space<hbm>> -> memref<32x1024xf32, #tpu.memory_space<hbm>>
    %dma_wait3A_356 = arith.constant 0 : i32
    %dma_wait3A_357 = tpu.memref_slice %arg3[%dma_wait3A_352, %mul3A_2, %dma_wait3A_356] : memref<32x1024x1024xf32, #tpu.memory_space<hbm>> -> memref<1x32x1024xf32, #tpu.memory_space<hbm>>
    %dma_wait3A_358 = tpu.memref_squeeze %dma_wait3A_357 : memref<1x32x1024xf32, #tpu.memory_space<hbm>> -> memref<32x1024xf32, #tpu.memory_space<hbm>>
    tpu.wait_dma2 semaphore(%arg6 : memref<!tpu.dma_semaphore, #tpu.memory_space<semaphore_mem>>) src(%arg4 : memref<32x1024xf32, #tpu.memory_space<vmem>>) dst(%dma_wait3A_358 : memref<32x1024xf32, #tpu.memory_space<hbm>>)
    %dma_wait3A_359 = arith.constant 18 : i32
    %dma_wait3A_360 = arith.constant 0 : i32
    %dma_wait3A_361 = tpu.memref_slice %arg3[%dma_wait3A_359, %mul3A_2, %dma_wait3A_360] : memref<32x1024x1024xf32, #tpu.memory_space<hbm>> -> memref<1x32x1024xf32, #tpu.memory_space<hbm>>
    %dma_wait3A_362 = tpu.memref_squeeze %dma_wait3A_361 : memref<1x32x1024xf32, #tpu.memory_space<hbm>> -> memref<32x1024xf32, #tpu.memory_space<hbm>>
    %dma_wait3A_363 = arith.constant 0 : i32
    %dma_wait3A_364 = tpu.memref_slice %arg3[%dma_wait3A_359, %mul3A_2, %dma_wait3A_363] : memref<32x1024x1024xf32, #tpu.memory_space<hbm>> -> memref<1x32x1024xf32, #tpu.memory_space<hbm>>
    %dma_wait3A_365 = tpu.memref_squeeze %dma_wait3A_364 : memref<1x32x1024xf32, #tpu.memory_space<hbm>> -> memref<32x1024xf32, #tpu.memory_space<hbm>>
    tpu.wait_dma2 semaphore(%arg6 : memref<!tpu.dma_semaphore, #tpu.memory_space<semaphore_mem>>) src(%arg4 : memref<32x1024xf32, #tpu.memory_space<vmem>>) dst(%dma_wait3A_365 : memref<32x1024xf32, #tpu.memory_space<hbm>>)
    %dma_wait3A_366 = arith.constant 19 : i32
    %dma_wait3A_367 = arith.constant 0 : i32
    %dma_wait3A_368 = tpu.memref_slice %arg3[%dma_wait3A_366, %mul3A_2, %dma_wait3A_367] : memref<32x1024x1024xf32, #tpu.memory_space<hbm>> -> memref<1x32x1024xf32, #tpu.memory_space<hbm>>
    %dma_wait3A_369 = tpu.memref_squeeze %dma_wait3A_368 : memref<1x32x1024xf32, #tpu.memory_space<hbm>> -> memref<32x1024xf32, #tpu.memory_space<hbm>>
    %dma_wait3A_370 = arith.constant 0 : i32
    %dma_wait3A_371 = tpu.memref_slice %arg3[%dma_wait3A_366, %mul3A_2, %dma_wait3A_370] : memref<32x1024x1024xf32, #tpu.memory_space<hbm>> -> memref<1x32x1024xf32, #tpu.memory_space<hbm>>
    %dma_wait3A_372 = tpu.memref_squeeze %dma_wait3A_371 : memref<1x32x1024xf32, #tpu.memory_space<hbm>> -> memref<32x1024xf32, #tpu.memory_space<hbm>>
    tpu.wait_dma2 semaphore(%arg6 : memref<!tpu.dma_semaphore, #tpu.memory_space<semaphore_mem>>) src(%arg4 : memref<32x1024xf32, #tpu.memory_space<vmem>>) dst(%dma_wait3A_372 : memref<32x1024xf32, #tpu.memory_space<hbm>>)
    %dma_wait3A_373 = arith.constant 20 : i32
    %dma_wait3A_374 = arith.constant 0 : i32
    %dma_wait3A_375 = tpu.memref_slice %arg3[%dma_wait3A_373, %mul3A_2, %dma_wait3A_374] : memref<32x1024x1024xf32, #tpu.memory_space<hbm>> -> memref<1x32x1024xf32, #tpu.memory_space<hbm>>
    %dma_wait3A_376 = tpu.memref_squeeze %dma_wait3A_375 : memref<1x32x1024xf32, #tpu.memory_space<hbm>> -> memref<32x1024xf32, #tpu.memory_space<hbm>>
    %dma_wait3A_377 = arith.constant 0 : i32
    %dma_wait3A_378 = tpu.memref_slice %arg3[%dma_wait3A_373, %mul3A_2, %dma_wait3A_377] : memref<32x1024x1024xf32, #tpu.memory_space<hbm>> -> memref<1x32x1024xf32, #tpu.memory_space<hbm>>
    %dma_wait3A_379 = tpu.memref_squeeze %dma_wait3A_378 : memref<1x32x1024xf32, #tpu.memory_space<hbm>> -> memref<32x1024xf32, #tpu.memory_space<hbm>>
    tpu.wait_dma2 semaphore(%arg6 : memref<!tpu.dma_semaphore, #tpu.memory_space<semaphore_mem>>) src(%arg4 : memref<32x1024xf32, #tpu.memory_space<vmem>>) dst(%dma_wait3A_379 : memref<32x1024xf32, #tpu.memory_space<hbm>>)
    %dma_wait3A_380 = arith.constant 21 : i32
    %dma_wait3A_381 = arith.constant 0 : i32
    %dma_wait3A_382 = tpu.memref_slice %arg3[%dma_wait3A_380, %mul3A_2, %dma_wait3A_381] : memref<32x1024x1024xf32, #tpu.memory_space<hbm>> -> memref<1x32x1024xf32, #tpu.memory_space<hbm>>
    %dma_wait3A_383 = tpu.memref_squeeze %dma_wait3A_382 : memref<1x32x1024xf32, #tpu.memory_space<hbm>> -> memref<32x1024xf32, #tpu.memory_space<hbm>>
    %dma_wait3A_384 = arith.constant 0 : i32
    %dma_wait3A_385 = tpu.memref_slice %arg3[%dma_wait3A_380, %mul3A_2, %dma_wait3A_384] : memref<32x1024x1024xf32, #tpu.memory_space<hbm>> -> memref<1x32x1024xf32, #tpu.memory_space<hbm>>
    %dma_wait3A_386 = tpu.memref_squeeze %dma_wait3A_385 : memref<1x32x1024xf32, #tpu.memory_space<hbm>> -> memref<32x1024xf32, #tpu.memory_space<hbm>>
    tpu.wait_dma2 semaphore(%arg6 : memref<!tpu.dma_semaphore, #tpu.memory_space<semaphore_mem>>) src(%arg4 : memref<32x1024xf32, #tpu.memory_space<vmem>>) dst(%dma_wait3A_386 : memref<32x1024xf32, #tpu.memory_space<hbm>>)
    %dma_wait3A_387 = arith.constant 22 : i32
    %dma_wait3A_388 = arith.constant 0 : i32
    %dma_wait3A_389 = tpu.memref_slice %arg3[%dma_wait3A_387, %mul3A_2, %dma_wait3A_388] : memref<32x1024x1024xf32, #tpu.memory_space<hbm>> -> memref<1x32x1024xf32, #tpu.memory_space<hbm>>
    %dma_wait3A_390 = tpu.memref_squeeze %dma_wait3A_389 : memref<1x32x1024xf32, #tpu.memory_space<hbm>> -> memref<32x1024xf32, #tpu.memory_space<hbm>>
    %dma_wait3A_391 = arith.constant 0 : i32
    %dma_wait3A_392 = tpu.memref_slice %arg3[%dma_wait3A_387, %mul3A_2, %dma_wait3A_391] : memref<32x1024x1024xf32, #tpu.memory_space<hbm>> -> memref<1x32x1024xf32, #tpu.memory_space<hbm>>
    %dma_wait3A_393 = tpu.memref_squeeze %dma_wait3A_392 : memref<1x32x1024xf32, #tpu.memory_space<hbm>> -> memref<32x1024xf32, #tpu.memory_space<hbm>>
    tpu.wait_dma2 semaphore(%arg6 : memref<!tpu.dma_semaphore, #tpu.memory_space<semaphore_mem>>) src(%arg4 : memref<32x1024xf32, #tpu.memory_space<vmem>>) dst(%dma_wait3A_393 : memref<32x1024xf32, #tpu.memory_space<hbm>>)
    %dma_wait3A_394 = arith.constant 23 : i32
    %dma_wait3A_395 = arith.constant 0 : i32
    %dma_wait3A_396 = tpu.memref_slice %arg3[%dma_wait3A_394, %mul3A_2, %dma_wait3A_395] : memref<32x1024x1024xf32, #tpu.memory_space<hbm>> -> memref<1x32x1024xf32, #tpu.memory_space<hbm>>
    %dma_wait3A_397 = tpu.memref_squeeze %dma_wait3A_396 : memref<1x32x1024xf32, #tpu.memory_space<hbm>> -> memref<32x1024xf32, #tpu.memory_space<hbm>>
    %dma_wait3A_398 = arith.constant 0 : i32
    %dma_wait3A_399 = tpu.memref_slice %arg3[%dma_wait3A_394, %mul3A_2, %dma_wait3A_398] : memref<32x1024x1024xf32, #tpu.memory_space<hbm>> -> memref<1x32x1024xf32, #tpu.memory_space<hbm>>
    %dma_wait3A_400 = tpu.memref_squeeze %dma_wait3A_399 : memref<1x32x1024xf32, #tpu.memory_space<hbm>> -> memref<32x1024xf32, #tpu.memory_space<hbm>>
    tpu.wait_dma2 semaphore(%arg6 : memref<!tpu.dma_semaphore, #tpu.memory_space<semaphore_mem>>) src(%arg4 : memref<32x1024xf32, #tpu.memory_space<vmem>>) dst(%dma_wait3A_400 : memref<32x1024xf32, #tpu.memory_space<hbm>>)
    %dma_wait3A_401 = arith.constant 24 : i32
    %dma_wait3A_402 = arith.constant 0 : i32
    %dma_wait3A_403 = tpu.memref_slice %arg3[%dma_wait3A_401, %mul3A_2, %dma_wait3A_402] : memref<32x1024x1024xf32, #tpu.memory_space<hbm>> -> memref<1x32x1024xf32, #tpu.memory_space<hbm>>
    %dma_wait3A_404 = tpu.memref_squeeze %dma_wait3A_403 : memref<1x32x1024xf32, #tpu.memory_space<hbm>> -> memref<32x1024xf32, #tpu.memory_space<hbm>>
    %dma_wait3A_405 = arith.constant 0 : i32
    %dma_wait3A_406 = tpu.memref_slice %arg3[%dma_wait3A_401, %mul3A_2, %dma_wait3A_405] : memref<32x1024x1024xf32, #tpu.memory_space<hbm>> -> memref<1x32x1024xf32, #tpu.memory_space<hbm>>
    %dma_wait3A_407 = tpu.memref_squeeze %dma_wait3A_406 : memref<1x32x1024xf32, #tpu.memory_space<hbm>> -> memref<32x1024xf32, #tpu.memory_space<hbm>>
    tpu.wait_dma2 semaphore(%arg6 : memref<!tpu.dma_semaphore, #tpu.memory_space<semaphore_mem>>) src(%arg4 : memref<32x1024xf32, #tpu.memory_space<vmem>>) dst(%dma_wait3A_407 : memref<32x1024xf32, #tpu.memory_space<hbm>>)
    %dma_wait3A_408 = arith.constant 25 : i32
    %dma_wait3A_409 = arith.constant 0 : i32
    %dma_wait3A_410 = tpu.memref_slice %arg3[%dma_wait3A_408, %mul3A_2, %dma_wait3A_409] : memref<32x1024x1024xf32, #tpu.memory_space<hbm>> -> memref<1x32x1024xf32, #tpu.memory_space<hbm>>
    %dma_wait3A_411 = tpu.memref_squeeze %dma_wait3A_410 : memref<1x32x1024xf32, #tpu.memory_space<hbm>> -> memref<32x1024xf32, #tpu.memory_space<hbm>>
    %dma_wait3A_412 = arith.constant 0 : i32
    %dma_wait3A_413 = tpu.memref_slice %arg3[%dma_wait3A_408, %mul3A_2, %dma_wait3A_412] : memref<32x1024x1024xf32, #tpu.memory_space<hbm>> -> memref<1x32x1024xf32, #tpu.memory_space<hbm>>
    %dma_wait3A_414 = tpu.memref_squeeze %dma_wait3A_413 : memref<1x32x1024xf32, #tpu.memory_space<hbm>> -> memref<32x1024xf32, #tpu.memory_space<hbm>>
    tpu.wait_dma2 semaphore(%arg6 : memref<!tpu.dma_semaphore, #tpu.memory_space<semaphore_mem>>) src(%arg4 : memref<32x1024xf32, #tpu.memory_space<vmem>>) dst(%dma_wait3A_414 : memref<32x1024xf32, #tpu.memory_space<hbm>>)
    %dma_wait3A_415 = arith.constant 26 : i32
    %dma_wait3A_416 = arith.constant 0 : i32
    %dma_wait3A_417 = tpu.memref_slice %arg3[%dma_wait3A_415, %mul3A_2, %dma_wait3A_416] : memref<32x1024x1024xf32, #tpu.memory_space<hbm>> -> memref<1x32x1024xf32, #tpu.memory_space<hbm>>
    %dma_wait3A_418 = tpu.memref_squeeze %dma_wait3A_417 : memref<1x32x1024xf32, #tpu.memory_space<hbm>> -> memref<32x1024xf32, #tpu.memory_space<hbm>>
    %dma_wait3A_419 = arith.constant 0 : i32
    %dma_wait3A_420 = tpu.memref_slice %arg3[%dma_wait3A_415, %mul3A_2, %dma_wait3A_419] : memref<32x1024x1024xf32, #tpu.memory_space<hbm>> -> memref<1x32x1024xf32, #tpu.memory_space<hbm>>
    %dma_wait3A_421 = tpu.memref_squeeze %dma_wait3A_420 : memref<1x32x1024xf32, #tpu.memory_space<hbm>> -> memref<32x1024xf32, #tpu.memory_space<hbm>>
    tpu.wait_dma2 semaphore(%arg6 : memref<!tpu.dma_semaphore, #tpu.memory_space<semaphore_mem>>) src(%arg4 : memref<32x1024xf32, #tpu.memory_space<vmem>>) dst(%dma_wait3A_421 : memref<32x1024xf32, #tpu.memory_space<hbm>>)
    %dma_wait3A_422 = arith.constant 27 : i32
    %dma_wait3A_423 = arith.constant 0 : i32
    %dma_wait3A_424 = tpu.memref_slice %arg3[%dma_wait3A_422, %mul3A_2, %dma_wait3A_423] : memref<32x1024x1024xf32, #tpu.memory_space<hbm>> -> memref<1x32x1024xf32, #tpu.memory_space<hbm>>
    %dma_wait3A_425 = tpu.memref_squeeze %dma_wait3A_424 : memref<1x32x1024xf32, #tpu.memory_space<hbm>> -> memref<32x1024xf32, #tpu.memory_space<hbm>>
    %dma_wait3A_426 = arith.constant 0 : i32
    %dma_wait3A_427 = tpu.memref_slice %arg3[%dma_wait3A_422, %mul3A_2, %dma_wait3A_426] : memref<32x1024x1024xf32, #tpu.memory_space<hbm>> -> memref<1x32x1024xf32, #tpu.memory_space<hbm>>
    %dma_wait3A_428 = tpu.memref_squeeze %dma_wait3A_427 : memref<1x32x1024xf32, #tpu.memory_space<hbm>> -> memref<32x1024xf32, #tpu.memory_space<hbm>>
    tpu.wait_dma2 semaphore(%arg6 : memref<!tpu.dma_semaphore, #tpu.memory_space<semaphore_mem>>) src(%arg4 : memref<32x1024xf32, #tpu.memory_space<vmem>>) dst(%dma_wait3A_428 : memref<32x1024xf32, #tpu.memory_space<hbm>>)
    %dma_wait3A_429 = arith.constant 28 : i32
    %dma_wait3A_430 = arith.constant 0 : i32
    %dma_wait3A_431 = tpu.memref_slice %arg3[%dma_wait3A_429, %mul3A_2, %dma_wait3A_430] : memref<32x1024x1024xf32, #tpu.memory_space<hbm>> -> memref<1x32x1024xf32, #tpu.memory_space<hbm>>
    %dma_wait3A_432 = tpu.memref_squeeze %dma_wait3A_431 : memref<1x32x1024xf32, #tpu.memory_space<hbm>> -> memref<32x1024xf32, #tpu.memory_space<hbm>>
    %dma_wait3A_433 = arith.constant 0 : i32
    %dma_wait3A_434 = tpu.memref_slice %arg3[%dma_wait3A_429, %mul3A_2, %dma_wait3A_433] : memref<32x1024x1024xf32, #tpu.memory_space<hbm>> -> memref<1x32x1024xf32, #tpu.memory_space<hbm>>
    %dma_wait3A_435 = tpu.memref_squeeze %dma_wait3A_434 : memref<1x32x1024xf32, #tpu.memory_space<hbm>> -> memref<32x1024xf32, #tpu.memory_space<hbm>>
    tpu.wait_dma2 semaphore(%arg6 : memref<!tpu.dma_semaphore, #tpu.memory_space<semaphore_mem>>) src(%arg4 : memref<32x1024xf32, #tpu.memory_space<vmem>>) dst(%dma_wait3A_435 : memref<32x1024xf32, #tpu.memory_space<hbm>>)
    %dma_wait3A_436 = arith.constant 29 : i32
    %dma_wait3A_437 = arith.constant 0 : i32
    %dma_wait3A_438 = tpu.memref_slice %arg3[%dma_wait3A_436, %mul3A_2, %dma_wait3A_437] : memref<32x1024x1024xf32, #tpu.memory_space<hbm>> -> memref<1x32x1024xf32, #tpu.memory_space<hbm>>
    %dma_wait3A_439 = tpu.memref_squeeze %dma_wait3A_438 : memref<1x32x1024xf32, #tpu.memory_space<hbm>> -> memref<32x1024xf32, #tpu.memory_space<hbm>>
    %dma_wait3A_440 = arith.constant 0 : i32
    %dma_wait3A_441 = tpu.memref_slice %arg3[%dma_wait3A_436, %mul3A_2, %dma_wait3A_440] : memref<32x1024x1024xf32, #tpu.memory_space<hbm>> -> memref<1x32x1024xf32, #tpu.memory_space<hbm>>
    %dma_wait3A_442 = tpu.memref_squeeze %dma_wait3A_441 : memref<1x32x1024xf32, #tpu.memory_space<hbm>> -> memref<32x1024xf32, #tpu.memory_space<hbm>>
    tpu.wait_dma2 semaphore(%arg6 : memref<!tpu.dma_semaphore, #tpu.memory_space<semaphore_mem>>) src(%arg4 : memref<32x1024xf32, #tpu.memory_space<vmem>>) dst(%dma_wait3A_442 : memref<32x1024xf32, #tpu.memory_space<hbm>>)
    %dma_wait3A_443 = arith.constant 30 : i32
    %dma_wait3A_444 = arith.constant 0 : i32
    %dma_wait3A_445 = tpu.memref_slice %arg3[%dma_wait3A_443, %mul3A_2, %dma_wait3A_444] : memref<32x1024x1024xf32, #tpu.memory_space<hbm>> -> memref<1x32x1024xf32, #tpu.memory_space<hbm>>
    %dma_wait3A_446 = tpu.memref_squeeze %dma_wait3A_445 : memref<1x32x1024xf32, #tpu.memory_space<hbm>> -> memref<32x1024xf32, #tpu.memory_space<hbm>>
    %dma_wait3A_447 = arith.constant 0 : i32
    %dma_wait3A_448 = tpu.memref_slice %arg3[%dma_wait3A_443, %mul3A_2, %dma_wait3A_447] : memref<32x1024x1024xf32, #tpu.memory_space<hbm>> -> memref<1x32x1024xf32, #tpu.memory_space<hbm>>
    %dma_wait3A_449 = tpu.memref_squeeze %dma_wait3A_448 : memref<1x32x1024xf32, #tpu.memory_space<hbm>> -> memref<32x1024xf32, #tpu.memory_space<hbm>>
    tpu.wait_dma2 semaphore(%arg6 : memref<!tpu.dma_semaphore, #tpu.memory_space<semaphore_mem>>) src(%arg4 : memref<32x1024xf32, #tpu.memory_space<vmem>>) dst(%dma_wait3A_449 : memref<32x1024xf32, #tpu.memory_space<hbm>>)
    %dma_wait3A_450 = arith.constant 31 : i32
    %dma_wait3A_451 = arith.constant 0 : i32
    %dma_wait3A_452 = tpu.memref_slice %arg3[%dma_wait3A_450, %mul3A_2, %dma_wait3A_451] : memref<32x1024x1024xf32, #tpu.memory_space<hbm>> -> memref<1x32x1024xf32, #tpu.memory_space<hbm>>
    %dma_wait3A_453 = tpu.memref_squeeze %dma_wait3A_452 : memref<1x32x1024xf32, #tpu.memory_space<hbm>> -> memref<32x1024xf32, #tpu.memory_space<hbm>>
    %dma_wait3A_454 = arith.constant 0 : i32
    %dma_wait3A_455 = tpu.memref_slice %arg3[%dma_wait3A_450, %mul3A_2, %dma_wait3A_454] : memref<32x1024x1024xf32, #tpu.memory_space<hbm>> -> memref<1x32x1024xf32, #tpu.memory_space<hbm>>
    %dma_wait3A_456 = tpu.memref_squeeze %dma_wait3A_455 : memref<1x32x1024xf32, #tpu.memory_space<hbm>> -> memref<32x1024xf32, #tpu.memory_space<hbm>>
    tpu.wait_dma2 semaphore(%arg6 : memref<!tpu.dma_semaphore, #tpu.memory_space<semaphore_mem>>) src(%arg4 : memref<32x1024xf32, #tpu.memory_space<vmem>>) dst(%dma_wait3A_456 : memref<32x1024xf32, #tpu.memory_space<hbm>>)
    return
  }
}

module attributes {stable_mosaic.version = 14 : i64} {
  func.func @_tile_kernel(%arg0: memref<1x1024xi32, #tpu.memory_space<vmem>>, %arg1: memref<32x512xf32, #tpu.memory_space<vmem>>, %arg2: memref<32x512xf32, #tpu.memory_space<vmem>>, %arg3: memref<1024x1024xf32, #tpu.memory_space<vmem>>) attributes {dimension_semantics = [], scalar_prefetch = 0 : i64, scratch_operands = 0 : i64, tpu.core_type = #tpu.core_type<tc>} {
    %iota3A = tpu.iota {dimensions = array<i32: 0>} : vector<32x1024xi32>
    %iota3A_0 = tpu.iota {dimensions = array<i32: 1>} : vector<32x1024xi32>
    %get3A = arith.constant 0 : index
    %get3A_1 = arith.constant 0 : index
    %get3A_2 = vector.load %arg0[%get3A, %get3A_1] : memref<1x1024xi32, #tpu.memory_space<vmem>>, vector<1x1024xi32>
    %eq3A = vector.broadcast %get3A_2 : vector<1x1024xi32> to vector<32x1024xi32>
    %eq3A_3 = arith.cmpi eq, %eq3A, %iota3A : vector<32x1024xi32>
    %convert_element_type3A = arith.extui %eq3A_3 : vector<32x1024xi1> to vector<32x1024xi32>
    %convert_element_type3A_4 = arith.sitofp %convert_element_type3A : vector<32x1024xi32> to vector<32x1024xf32>
    %jit3A = arith.constant 32 : i32
    %div3A = vector.broadcast %jit3A : i32 to vector<32x1024xi32>
    %div3A_5 = arith.divsi %iota3A_0, %div3A : vector<32x1024xi32>
    %sign3A = arith.constant 0 : i32
    %sign3A_6 = vector.broadcast %sign3A : i32 to vector<32x1024xi32>
    %sign3A_7 = arith.cmpi sgt, %iota3A_0, %sign3A_6 : vector<32x1024xi32>
    %sign3A_8 = arith.extui %sign3A_7 : vector<32x1024xi1> to vector<32x1024xi32>
    %sign3A_9 = arith.constant 0 : i32
    %sign3A_10 = vector.broadcast %sign3A_9 : i32 to vector<32x1024xi32>
    %sign3A_11 = arith.cmpi slt, %iota3A_0, %sign3A_10 : vector<32x1024xi32>
    %sign3A_12 = arith.extui %sign3A_11 : vector<32x1024xi1> to vector<32x1024xi32>
    %sign3A_13 = arith.subi %sign3A_8, %sign3A_12 : vector<32x1024xi32>
    %sign3A_14 = arith.constant 0 : i32
    %sign3A_15 = arith.cmpi sgt, %jit3A, %sign3A_14 : i32
    %sign3A_16 = arith.extui %sign3A_15 : i1 to i32
    %sign3A_17 = arith.constant 0 : i32
    %sign3A_18 = arith.cmpi slt, %jit3A, %sign3A_17 : i32
    %sign3A_19 = arith.extui %sign3A_18 : i1 to i32
    %sign3A_20 = arith.subi %sign3A_16, %sign3A_19 : i32
    %ne3A = vector.broadcast %sign3A_20 : i32 to vector<32x1024xi32>
    %ne3A_21 = arith.cmpi ne, %sign3A_13, %ne3A : vector<32x1024xi32>
    %rem3A = vector.broadcast %jit3A : i32 to vector<32x1024xi32>
    %rem3A_22 = arith.remsi %iota3A_0, %rem3A : vector<32x1024xi32>
    %ne3A_23 = arith.constant 0 : i32
    %ne3A_24 = vector.broadcast %ne3A_23 : i32 to vector<32x1024xi32>
    %ne3A_25 = arith.cmpi ne, %rem3A_22, %ne3A_24 : vector<32x1024xi32>
    %and3A = arith.andi %ne3A_21, %ne3A_25 : vector<32x1024xi1>
    %sub3A = arith.constant 1 : i32
    %sub3A_26 = vector.broadcast %sub3A : i32 to vector<32x1024xi32>
    %sub3A_27 = arith.subi %div3A_5, %sub3A_26 : vector<32x1024xi32>
    %select_n3A = arith.select %and3A, %sub3A_27, %div3A_5 : vector<32x1024xi1>, vector<32x1024xi32>
    %eq3A_28 = arith.cmpi eq, %select_n3A, %iota3A : vector<32x1024xi32>
    %convert_element_type3A_29 = arith.extui %eq3A_28 : vector<32x1024xi1> to vector<32x1024xi32>
    %convert_element_type3A_30 = arith.sitofp %convert_element_type3A_29 : vector<32x1024xi32> to vector<32x1024xf32>
    %get3A_31 = arith.constant 0 : index
    %get3A_32 = arith.constant 0 : index
    %get3A_33 = vector.load %arg1[%get3A_31, %get3A_32] : memref<32x512xf32, #tpu.memory_space<vmem>>, vector<32x512xf32>
    %dot_general3A = arith.constant dense<0.000000e+00> : vector<512x1024xf32>
    %dot_general3A_34 = tpu.matmul %get3A_33, %convert_element_type3A_4, %dot_general3A {dimension_numbers = #tpu.dot_dimension_numbers<[0], [0], [1], [1], [0, 1, 1, 1], [], []>, precision = #tpu.contract_precision<fp32>, transpose_lhs_hint = false} : vector<32x512xf32>, vector<32x1024xf32>, vector<512x1024xf32> -> vector<512x1024xf32>
    %swap3A = arith.constant 0 : index
    %swap3A_35 = arith.constant 0 : index
    %swap3A_36 = vector.load %arg3[%swap3A, %swap3A_35] : memref<1024x1024xf32, #tpu.memory_space<vmem>>, vector<512x1024xf32>
    tpu.vector_store %arg3[%swap3A, %swap3A_35], %dot_general3A_34 {strides = array<i32>} : memref<1024x1024xf32, #tpu.memory_space<vmem>>, vector<512x1024xf32>,
    %get3A_37 = arith.constant 0 : index
    %get3A_38 = arith.constant 0 : index
    %get3A_39 = vector.load %arg2[%get3A_37, %get3A_38] : memref<32x512xf32, #tpu.memory_space<vmem>>, vector<32x512xf32>
    %dot_general3A_40 = arith.constant dense<0.000000e+00> : vector<512x1024xf32>
    %dot_general3A_41 = tpu.matmul %get3A_39, %convert_element_type3A_30, %dot_general3A_40 {dimension_numbers = #tpu.dot_dimension_numbers<[0], [0], [1], [1], [0, 1, 1, 1], [], []>, precision = #tpu.contract_precision<fp32>, transpose_lhs_hint = false} : vector<32x512xf32>, vector<32x1024xf32>, vector<512x1024xf32> -> vector<512x1024xf32>
    %swap3A_42 = arith.constant 512 : index
    %swap3A_43 = arith.constant 0 : index
    %swap3A_44 = vector.load %arg3[%swap3A_42, %swap3A_43] : memref<1024x1024xf32, #tpu.memory_space<vmem>>, vector<512x1024xf32>
    tpu.vector_store %arg3[%swap3A_42, %swap3A_43], %dot_general3A_41 {strides = array<i32>} : memref<1024x1024xf32, #tpu.memory_space<vmem>>, vector<512x1024xf32>,
    return
  }
}

</mosaic_0001>

<sc_bundles>
// kernel: kernel.4.cloned.1.call-start
scs
__scs_entry_jumppad:
0x0: {  	(pc) =	sbr.rel $0x88, $3  }
0x1: {  	(tag) =	ssettag $0x0;
	lr =	simm.s32 $0x1  }
0x2: {  	[smem:$0x3F9E] =	sst lr;
	_ =	strace $0xD0000000  }
0x3: {  	_ = 	snop  }
0x4: {  	_ = 	snop  }
0x5: {  	_ = 	snop  }
0x6: {  	_ = 	snop  }
0x7: {  	_ = 	snop  }
__scs_overlays_trampoline_lowered:
0x8: {  	[smem:$0x3FAD] =	sst s0  }
0x9: {  	[smem:$0x3FAE] =	sst s1  }
0xa: {  	[smem:$0x3FAF] =	sst s2  }
0xb: {  	[smem:$0x3FB0] =	sst s3  }
0xc: {  	[smem:$0x3FB1] =	sst s4  }
0xd: {  	[smem:$0x3FB2] =	sst s5  }
0xe: {  	[smem:$0x3FB3] =	sst s6  }
0xf: {  	[smem:$0x3FB4] =	sst s7  }
0x10: {  	[smem:$0x3FB5] =	sst s8  }
0x11: {  	[smem:$0x3FB6] =	sst s9;
	s0 =	simm.s32 @!p0 $0x0  }
0x12: {  	s1 =	sld [smem:$0x3F9C];
	s0 =	simm.s32 @p0 $0x1  }
0x13: {  	[smem:$0x3FB7] =	sst s0;
	s0 =	simm.s32 @!p1 $0x0  }
0x14: {  	s2 =	sld [smem:$0x3F9B];
	s0 =	simm.s32 @p1 $0x1  }
0x15: {  	[smem:$0x3FB8] =	sst s0;
	s0 =	simm.s32 @!p2 $0x0  }
0x16: {  	s3 =	sld [smem:$0x3FDB];
	s0 =	simm.s32 @p2 $0x1  }
0x17: {  	s4 =	simm.s32 $0x1BF5;
	[smem:$0x3FBA] =	sst s0  }
0x18: {  	s0 =	sld [smem:$0x3F9D];
	_ =	swait.ge [sflag:s4], $0x0  }
0x19: {  	s7 =	sld [smem:$0x3F9E]  }
0x1a: {  	s8 =	sadd.s32 $0xFFFFE003, lr  }
0x1b: {  	s9 =	sadd.s32 $0xFFFFFEF7, lr;
	s5 =	simm.s32 $0xFFFFFFFF;
	p2 =	slt.u32 s8, $0xFFFFF086  }
0x1c: {  	p1 =	slt.u32 s9, $0xF7A;
	s5 =	simm.s32 @!p2 $0x0  }
0x1d: {  	s5 =	simm.s32 @p1 $0x1;
	p0 =	seq.s32 s7, s2  }
0x1e: {  	s7 =	smul.u32 @!p0 $0xF7A, s2;
	p2 =	seq.s32 @!p0 s5, $0x0  }
0x1f: {  	s9 =	smul.u32 $0xF7A, s1;
	s8 =	simm.s32 @!p0 $0x1BF5;
	p2 =	por !p2, p0  }
0x20: {  	[sflag:s8] =	ssyncset.s32 @!p0 $0xFFFFF086;
	s6 =	sadd.s32 @!p0 s3, s7;
	s7 =	simm.s32 @!p0 $0x108  }
0x21: {  	s3 =	sadd.s32 s3, s9;
	s6 =	sadd.s32 @!p0 $0x88, s6;
	s7 =	simm.s32 @p2 $0x1082  }
0x22: {  	[simem:s7], [sflag:s8] =	dma.local @!p0 [hbm:s6], $0xF7A  }
0x23: {  	s9 =	sor.u32 $0xD0000000, s2;
	s6 =	simm.s32 $0x108;
	_ =	swait.ge @!p0 [sflag:s8], $0x0  }
0x24: {  	s3 =	sadd.s32 $0x88, s3;
	s6 =	simm.s32 @!p1 $0x1082;
	[sflag:s4] =	ssyncset.s32 $0xFFFFF086  }
0x25: {  	[simem:s6], [sflag:s4] =	dma.local [hbm:s3], $0xF7A  }
0x26: {  	[smem:$0x3F9E] =	sst s1;
	(tag) =	ssettag s2;
	_ =	strace s9  }
0x27: {  	s1 =	sld [smem:$0x3FAE]  }
0x28: {  	s2 =	sld [smem:$0x3FAF]  }
0x29: {  	s4 =	sld [smem:$0x3FB1]  }
0x2a: {  	p0 =	seq.s32 s5, $0x0;
	s5 =	sld [smem:$0x3FB2]  }
0x2b: {  	s6 =	sld [smem:$0x3FB3]  }
0x2c: {  	s7 =	sld [smem:$0x3FB4]  }
0x2d: {  	s3 =	simm.s32 $0x108;
	s8 =	sld [smem:$0x3FB5]  }
0x2e: {  	s3 =	simm.s32 @!p0 $0x1082;
	s9 =	sld [smem:$0x3FB6]  }
0x2f: {  	lr =	sadd.s32 s0, s3;
	s0 =	sld [smem:$0x3FAD]  }
0x30: {  	s3 =	sld [smem:$0x3FB0]  }
0x31: {  	[smem:$0x3FB9] =	sst s10  }
0x32: {  	s10 =	sld [smem:$0x3FB7];
	_ =	sdelay $0x3  }
0x33: {  	p0 =	seq.s32 s10, $0x1;
	s10 =	sld [smem:$0x3FB9];
	_ =	sdelay $0x3  }
0x34: {  	[smem:$0x3FB9] =	sst s10  }
0x35: {  	s10 =	sld [smem:$0x3FB8];
	_ =	sdelay $0x3  }
0x36: {  	p1 =	seq.s32 s10, $0x1;
	s10 =	sld [smem:$0x3FB9];
	_ =	sdelay $0x3  }
0x37: {  	[smem:$0x3FB9] =	sst s10  }
0x38: {  	s10 =	sld [smem:$0x3FBA]  }
0x39: {  	_ = 	snop;
	(pc) =	sbr.ind lr, $3  }
0x3a: {  	_ = 	snop  }
0x3b: {  	_ = 	snop  }
0x3c: {  	p2 =	seq.s32 s10, $0x1;
	s10 =	sld [smem:$0x3FB9]  }
0x3d: {  	_ =	shalt  }
0x3e: {  	_ =	shalt  }
0x3f: {  	_ =	shalt  }
0x40: {  	_ =	shalt  }
0x41: {  	_ =	shalt  }
0x42: {  	_ =	shalt  }
0x43: {  	_ =	shalt  }
0x44: {  	_ =	shalt  }
0x45: {  	_ =	shalt  }
0x46: {  	_ =	shalt  }
0x47: {  	_ =	shalt  }
0x48: {  	_ =	shalt  }
0x49: {  	_ =	shalt  }
0x4a: {  	_ =	shalt  }
0x4b: {  	_ =	shalt  }
0x4c: {  	_ =	shalt  }
0x4d: {  	_ =	shalt  }
0x4e: {  	_ =	shalt  }
0x4f: {  	_ =	shalt  }
0x50: {  	_ =	shalt  }
0x51: {  	_ =	shalt  }
0x52: {  	_ =	shalt  }
0x53: {  	_ =	shalt  }
0x54: {  	_ =	shalt  }
0x55: {  	_ =	shalt  }
0x56: {  	_ =	shalt  }
0x57: {  	_ =	shalt  }
0x58: {  	_ =	shalt  }
0x59: {  	_ =	shalt  }
0x5a: {  	_ =	shalt  }
0x5b: {  	_ =	shalt  }
0x5c: {  	_ =	shalt  }
0x5d: {  	_ =	shalt  }
0x5e: {  	_ =	shalt  }
0x5f: {  	_ =	shalt  }
0x60: {  	_ =	shalt  }
0x61: {  	_ =	shalt  }
0x62: {  	_ =	shalt  }
0x63: {  	_ =	shalt  }
0x64: {  	_ =	shalt  }
0x65: {  	_ =	shalt  }
0x66: {  	_ =	shalt  }
0x67: {  	_ =	shalt  }
0x68: {  	_ =	shalt  }
0x69: {  	_ =	shalt  }
0x6a: {  	_ =	shalt  }
0x6b: {  	_ =	shalt  }
0x6c: {  	_ =	shalt  }
0x6d: {  	_ =	shalt  }
0x6e: {  	_ =	shalt  }
0x6f: {  	_ =	shalt  }
0x70: {  	_ =	shalt  }
0x71: {  	_ =	shalt  }
0x72: {  	_ =	shalt  }
0x73: {  	_ =	shalt  }
0x74: {  	_ =	shalt  }
0x75: {  	_ =	shalt  }
0x76: {  	_ =	shalt  }
0x77: {  	_ =	shalt  }
0x78: {  	_ =	shalt  }
0x79: {  	_ =	shalt  }
0x7a: {  	_ =	shalt  }
0x7b: {  	_ =	shalt  }
0x7c: {  	_ =	shalt  }
0x7d: {  	_ =	shalt  }
0x7e: {  	_ =	shalt  }
0x7f: {  	_ =	shalt  }
0x80: {  	_ =	shalt  }
0x81: {  	_ =	shalt  }
0x82: {  	_ =	shalt  }
0x83: {  	_ =	shalt  }
0x84: {  	_ =	shalt  }
0x85: {  	_ =	shalt  }
0x86: {  	_ =	shalt  }
0x87: {  	_ =	shalt  }
.Lfunc_end0:
.L_simem_size_0:
called_computation_lowered:
.L_overlay_start_0:
0x88: {  	s2 =	sld [smem:$0x3FD9]  }
0x89: {  	s3 =	sld [smem:$0x3FFE];
	_ =	sdelay $0x1  }
0x8a: {  	s1 =	srdreg.scid  }
0x8b: {  	s0 =	sand.u32 $0x1, s1  }
0x8c: {  	s17 =	sshll.u32 s0, $0xA;
	s2 =	sadd.s32 s3, s2  }
0x8d: {  	s2 =	sadd.s32 s2, s17  }
0x8e: {  	[smem:$0x3FC5] =	sst s2  }
0x8f: {  	_ = 	snop  }
0x90: {  	s2 =	sld [smem:$0x3FD0];
	(tm) =	ssettm $0x1  }
0x91: {  	s18 =	sld [smem:$0x3FFB];
	_ =	sdelay $0x3  }
0x92: {  	_ =	strace s18  }
0x93: {  	s3 =	sld [smem:$0x3FFC];
	_ =	sdelay $0x3  }
0x94: {  	_ =	strace s3  }
0x95: {  	s3 =	sld [smem:$0x3FFD];
	_ =	sdelay $0x3  }
0x96: {  	_ =	strace s3  }
0x97: {  	_ =	strace $0x8FFFFFFF  }
0x98: {  	s19 =	sld [smem:$0x3FDB];
	_ =	sdelay $0x1  }
0x99: {  	s4 =	simm.s32 $_scs_section_size  }
0x9a: {  	s5 =	simm.s32 $_size__tile_overlayer_lowered;
	s6 =	simm.s32 $_tile_overlayer_lowered  }
0x9b: {  	s22 =	simm.s32 $0x1BFF;
	s21 =	sshll.u32 s6, $0x1;
	s3 =	sadd.s32 s4, s19  }
0x9c: {  	s7 =	simm.s32 $0x0;
	s20 =	sshll.u32 s5, $0x1;
	s5 =	sadd.s32 s21, s3  }
0x9d: {  	[timem:s7], [sflag:s22] =	dma.local [hbm:s5], s20  }
0x9e: {  	_ =	swait.ge [sflag:s22], s20  }
0x9f: {  	s4 =	ssub.s32 $0x0, s20;
	[sflag:s22] =	ssyncset.done $0x0  }
0xa0: {  	[sflag:s22] =	ssyncadd.s32 s4;
	_ =	sdelay $0x1  }
0xa1: {  	s23 =	simm.s32 $0x1B8B  }
0xa2: {  	_ =	swait.ge [sflag:s23], $0x1  }
0xa3: {  	[sflag:s23] =	ssyncset.done $0x0  }
0xa4: {  	s25 =	simm.s32 $0x1B8E;
	s24 =	sld [smem:$0x3FFE];
	[sflag:s23] =	ssyncadd.s32 $0xFFFFFFFF  }
0xa5: {  	s26 =	simm.s32 $execute0_lowered;
	[smem:$0x3FD2] =	sst s25  }
0xa6: {  	s5 =	sshll.u32 s26, $0x1;
	_ =	strace $0x80000046;
	[dreg:$0x1] =	wrdreg $0xFFFFFFFF  }
0xa7: {  	s28 =	simm.s32 $_size_execute0_lowered;
	s3 =	sadd.s32 s3, s5;
	[dreg:$0x0] =	wrdreg $0x0  }
0xa8: {  	s5 =	sshll.u32 s28, $0x1;
	[dreg:$0x2] =	wrdreg s3  }
0xa9: {  	[dreg:$0x3] =	wrdreg s5  }
0xaa: {  	[dreg:$0x4] =	wrdreg $0xC0  }
0xab: {  	_ =	task [dreg:s7], $0x5FFFF  }
0xac: {  	[dreg:$0x1] =	wrdreg $0xFFFFFFFF  }
0xad: {  	[dreg:$0x0] =	wrdreg $0x60  }
0xae: {  	[dreg:$0x2] =	wrdreg s2  }
0xaf: {  	[dreg:$0x3] =	wrdreg s24  }
0xb0: {  	[dreg:$0x4] =	wrdreg $0x9  }
0xb1: {  	_ =	task.clear_ibuf [dreg:s7], $0x5FFFF;
	_ =	strace $0x90000046  }
0xb2: {  	s29 =	simm.s32 $0x9;
	_ =	strace $0x80000048  }
0xb3: {  	_ =	swait.ge [sflag:s29], $0x1  }
0xb4: {  	[sflag:s29] =	ssyncadd.s32 $0xFFFFFFFF  }
0xb5: {  	_ =	strace $0x90000048  }
0xb6: {  	_ =	sfence  }
0xb7: {  	s30 =	sld [smem:$0x0];
	_ =	sdelay $0x2  }
0xb8: {  	s31 =	sshll.u32 s1, $0xD;
	s1 =	sshrl.u32 s1, $0x2  }
0xb9: {  	s3 =	sand.u32 $0x4000, s31;
	s1 =	sadd.s32 s1, s30  }
0xba: {  	s0 =	sor.u32 s3, s0;
	s1 =	sshll.u32 s1, $0x11  }
0xbb: {  	s0 =	sor.u32 s1, s0  }
0xbc: {  	s0 =	sadd.s32 $0x8F2B, s0  }
0xbd: {  	[sflag:s0] =	ssyncadd.remote.s32 $0x1  }
0xbe: {  	_ =	sfence.sel $0xFFFF  }
0xbf: {  	[dreg:$0x0] =	wrdreg $0xFFFFFFFF;
	(pc) =	sbr.abs _section_cstart, $3  }
0xc0: {  	[dreg:$0x1] =	wrdreg $0xFFFFFFFF  }
0xc1: {  	_ =	task.clear_ibuf [dreg:s7], $0x2FFFF;
	_ =	strace $0x9FFFFFFF  }
0xc2: {  	(tm) =	ssettm $0x7FFFFFFF  }
0xc3: {  	_ =	shalt  }
tec
execute0_lowered:
.L_overlay_start_1:
0x0: {  	(tag) =	ssettag $0x1  }
0x1: {  	s0 =	srdreg.scid;
	s1 =	rddreg [dreg:$0x0]  }
0x2: {  	s3 =	stileid.u32;
	s2 =	rddreg [dreg:$0x1];
	s0 =	sand.u32 $0x1, s0  }
0x3: {  	s5 =	sshll.u32 s3, $0xC;
	s3 =	simm.s32 $0x0;
	s4 =	sshll.u32 s0, $0x10  }
0x4: {  	[smem:$0x7FF] =	sst s3;
	s10 =	sor.u32 s5, s4  }
0x5: {  	s0 =	ssub.s32 $0x2, s0;
	_ =	strace $0x80000047;
	s2 =	sadd.s32 s10, s2  }
0x6: {  	s8 =	sshrl.u32 s0, $0x1;
	s18 =	sadd.s32 $0x20A00, s2;
	s20 =	sadd.s32 $0x40A00, s2  }
0x7: {  	s22 =	sadd.s32 $0x60A00, s2;
	s24 =	sadd.s32 $0x80A00, s2;
	s26 =	sadd.s32 $0xA0A00, s2  }
0x8: {  	s4 =	sadd.s32 $0xC0A00, s2;
	s5 =	sadd.s32 $0xE0A00, s2;
	s6 =	sadd.s32 $0x100A00, s2  }
0x9: {  	s0 =	ssub.s32 s0, s8;
	s7 =	sadd.s32 $0x120A00, s2;
	s8 =	sadd.s32 $0x140A00, s2  }
0xa: {  	s1 =	sadd.s32 s1, s10;
	s9 =	sadd.s32 $0x160A00, s2;
	s10 =	sadd.s32 $0x180A00, s2  }
0xb: {  	s11 =	sadd.s32 $0x1A0A00, s2;
	s12 =	sadd.s32 $0x1C0A00, s2  }
0xc: {  	p0 =	por $0x0, $0x0;
	s13 =	sadd.s32 $0x1E0A00, s2;
	s14 =	sadd.s32 $0x200A00, s2  }
0xd: {  	s31 =	simm.s32 $0x1;
	s15 =	sadd.s32 $0x220A00, s2;
	s16 =	sadd.s32 $0x240A00, s2  }
0xe: {  	[dreg:$0x3] =	wrdreg s1;
	s17 =	sadd.s32 $0x260A00, s2;
	s19 =	sadd.s32 $0x2A0A00, s2  }
0xf: {  	s25 =	sadd.s32 $0xA00, s2;
	s21 =	sadd.s32 $0x2E0A00, s2;
	s23 =	sadd.s32 $0x320A00, s2  }
0x10: {  	s28 =	sadd.s32 $0x3A0A00, s2;
	s0 =	smax.u32 s0, $0x1;
	[dreg:$0x4] =	wrdreg s25  }
0x11: {  	s29 =	sadd.s32 $0x3C0A00, s2;
	[dreg:$0x5] =	wrdreg s18;
	p1 =	sne.s32 s0, $0x1  }
.Ltmp0:
0x12: {  	s30 =	sadd.s32 $0x3E0A00, s2;
	[dreg:$0x6] =	wrdreg s20;
	(pc) =	sbr.rel @!p1 .LBB2_3-.Ltmp0, $4  }
0x13: {  	s18 =	sadd.s32 $0x280A00, s2;
	s20 =	sadd.s32 $0x2C0A00, s2;
	[dreg:$0x7] =	wrdreg s22  }
0x14: {  	s22 =	sadd.s32 $0x300A00, s2;
	[dreg:$0x8] =	wrdreg s24;
	s24 =	sadd.s32 $0x340A00, s2  }
0x15: {  	s25 =	sadd.s32 $0x360A00, s2;
	[dreg:$0x9] =	wrdreg s26;
	s26 =	sadd.s32 $0x380A00, s2  }
0x16: {  	s1 =	sadd.s32 $0xFFFFFFFF, s0;
	s2 =	simm.s32 $0x2;
	s0 =	rddreg [dreg:$0x3]  }
0x17: {  	[tilespmem:s3], [sflag:$0x1] =	stream.linear.gather [hbm4b:s0+s3], $0x8000, $0x38;
	[tilespmem:$0x8000] =	vst v63  }
0x18: {  	_ =	swait.ge [sflag:s31], $0x8000  }
0x19: {  	[dreg:$0xa] =	wrdreg s1;
	[sflag:s31] =	ssyncset.done $0x0  }
0x1a: {  	s0 =	rddreg [dreg:$0x4];
	[sflag:s31] =	ssyncadd.s32 $0xFFFF8000  }
0x1b: {  	[hbm4b:s0+s3] =	stream.linear.scatter [tilespmem:s3], [sflag:$0x2], $0x8000, $0x38;
	[tilespmem:$0x8000] =	vst v63  }
0x1c: {  	s1 =	rddreg [dreg:$0x5]  }
0x1d: {  	[hbm4b:s1+s3] =	stream.linear.scatter [tilespmem:s3], [sflag:$0x2], $0x8000, $0x38;
	[tilespmem:$0x8000] =	vst v63  }
0x1e: {  	s0 =	rddreg [dreg:$0x6]  }
0x1f: {  	[hbm4b:s0+s3] =	stream.linear.scatter [tilespmem:s3], [sflag:$0x2], $0x8000, $0x38;
	[tilespmem:$0x8000] =	vst v63  }
0x20: {  	s1 =	rddreg [dreg:$0x7]  }
0x21: {  	[hbm4b:s1+s3] =	stream.linear.scatter [tilespmem:s3], [sflag:$0x2], $0x8000, $0x38;
	[tilespmem:$0x8000] =	vst v63  }
0x22: {  	s0 =	rddreg [dreg:$0x8]  }
0x23: {  	[hbm4b:s0+s3] =	stream.linear.scatter [tilespmem:s3], [sflag:$0x2], $0x8000, $0x38;
	[tilespmem:$0x8000] =	vst v63  }
0x24: {  	s1 =	rddreg [dreg:$0x9]  }
0x25: {  	[hbm4b:s1+s3] =	stream.linear.scatter [tilespmem:s3], [sflag:$0x2], $0x8000, $0x38;
	[tilespmem:$0x8000] =	vst v63  }
0x26: {  	_ = 	snop  }
0x27: {  	[hbm4b:s4+s3] =	stream.linear.scatter [tilespmem:s3], [sflag:$0x2], $0x8000, $0x38;
	[tilespmem:$0x8000] =	vst v63  }
0x28: {  	_ = 	snop  }
0x29: {  	[hbm4b:s5+s3] =	stream.linear.scatter [tilespmem:s3], [sflag:$0x2], $0x8000, $0x38;
	[tilespmem:$0x8000] =	vst v63  }
0x2a: {  	_ = 	snop  }
0x2b: {  	[hbm4b:s6+s3] =	stream.linear.scatter [tilespmem:s3], [sflag:$0x2], $0x8000, $0x38;
	[tilespmem:$0x8000] =	vst v63  }
0x2c: {  	_ = 	snop  }
0x2d: {  	[hbm4b:s7+s3] =	stream.linear.scatter [tilespmem:s3], [sflag:$0x2], $0x8000, $0x38;
	[tilespmem:$0x8000] =	vst v63  }
0x2e: {  	_ = 	snop  }
0x2f: {  	[hbm4b:s8+s3] =	stream.linear.scatter [tilespmem:s3], [sflag:$0x2], $0x8000, $0x38;
	[tilespmem:$0x8000] =	vst v63  }
0x30: {  	_ = 	snop  }
0x31: {  	[hbm4b:s9+s3] =	stream.linear.scatter [tilespmem:s3], [sflag:$0x2], $0x8000, $0x38;
	[tilespmem:$0x8000] =	vst v63  }
0x32: {  	_ = 	snop  }
0x33: {  	[hbm4b:s10+s3] =	stream.linear.scatter [tilespmem:s3], [sflag:$0x2], $0x8000, $0x38;
	[tilespmem:$0x8000] =	vst v63  }
0x34: {  	_ = 	snop  }
0x35: {  	[hbm4b:s11+s3] =	stream.linear.scatter [tilespmem:s3], [sflag:$0x2], $0x8000, $0x38;
	[tilespmem:$0x8000] =	vst v63  }
0x36: {  	_ = 	snop  }
0x37: {  	[hbm4b:s12+s3] =	stream.linear.scatter [tilespmem:s3], [sflag:$0x2], $0x8000, $0x38;
	[tilespmem:$0x8000] =	vst v63  }
0x38: {  	_ = 	snop  }
0x39: {  	[hbm4b:s13+s3] =	stream.linear.scatter [tilespmem:s3], [sflag:$0x2], $0x8000, $0x38;
	[tilespmem:$0x8000] =	vst v63  }
0x3a: {  	_ = 	snop  }
0x3b: {  	[hbm4b:s14+s3] =	stream.linear.scatter [tilespmem:s3], [sflag:$0x2], $0x8000, $0x38;
	[tilespmem:$0x8000] =	vst v63  }
0x3c: {  	_ = 	snop  }
0x3d: {  	[hbm4b:s15+s3] =	stream.linear.scatter [tilespmem:s3], [sflag:$0x2], $0x8000, $0x38;
	[tilespmem:$0x8000] =	vst v63  }
0x3e: {  	_ = 	snop  }
0x3f: {  	[hbm4b:s16+s3] =	stream.linear.scatter [tilespmem:s3], [sflag:$0x2], $0x8000, $0x38;
	[tilespmem:$0x8000] =	vst v63  }
0x40: {  	_ = 	snop  }
0x41: {  	[hbm4b:s17+s3] =	stream.linear.scatter [tilespmem:s3], [sflag:$0x2], $0x8000, $0x38;
	[tilespmem:$0x8000] =	vst v63  }
0x42: {  	_ = 	snop  }
0x43: {  	[hbm4b:s18+s3] =	stream.linear.scatter [tilespmem:s3], [sflag:$0x2], $0x8000, $0x38;
	[tilespmem:$0x8000] =	vst v63  }
0x44: {  	_ = 	snop  }
0x45: {  	[hbm4b:s19+s3] =	stream.linear.scatter [tilespmem:s3], [sflag:$0x2], $0x8000, $0x38;
	[tilespmem:$0x8000] =	vst v63  }
0x46: {  	_ = 	snop  }
0x47: {  	[hbm4b:s20+s3] =	stream.linear.scatter [tilespmem:s3], [sflag:$0x2], $0x8000, $0x38;
	[tilespmem:$0x8000] =	vst v63  }
0x48: {  	_ = 	snop  }
0x49: {  	[hbm4b:s21+s3] =	stream.linear.scatter [tilespmem:s3], [sflag:$0x2], $0x8000, $0x38;
	[tilespmem:$0x8000] =	vst v63  }
0x4a: {  	_ = 	snop  }
0x4b: {  	[hbm4b:s22+s3] =	stream.linear.scatter [tilespmem:s3], [sflag:$0x2], $0x8000, $0x38;
	[tilespmem:$0x8000] =	vst v63  }
0x4c: {  	_ = 	snop  }
0x4d: {  	[hbm4b:s23+s3] =	stream.linear.scatter [tilespmem:s3], [sflag:$0x2], $0x8000, $0x38;
	[tilespmem:$0x8000] =	vst v63  }
0x4e: {  	_ = 	snop  }
0x4f: {  	[hbm4b:s24+s3] =	stream.linear.scatter [tilespmem:s3], [sflag:$0x2], $0x8000, $0x38;
	[tilespmem:$0x8000] =	vst v63  }
0x50: {  	_ = 	snop  }
0x51: {  	[hbm4b:s25+s3] =	stream.linear.scatter [tilespmem:s3], [sflag:$0x2], $0x8000, $0x38;
	[tilespmem:$0x8000] =	vst v63  }
0x52: {  	_ = 	snop  }
0x53: {  	[hbm4b:s26+s3] =	stream.linear.scatter [tilespmem:s3], [sflag:$0x2], $0x8000, $0x38;
	[tilespmem:$0x8000] =	vst v63  }
0x54: {  	_ = 	snop  }
0x55: {  	[hbm4b:s28+s3] =	stream.linear.scatter [tilespmem:s3], [sflag:$0x2], $0x8000, $0x38;
	[tilespmem:$0x8000] =	vst v63  }
0x56: {  	_ = 	snop  }
0x57: {  	[hbm4b:s29+s3] =	stream.linear.scatter [tilespmem:s3], [sflag:$0x2], $0x8000, $0x38;
	[tilespmem:$0x8000] =	vst v63  }
0x58: {  	_ = 	snop  }
0x59: {  	[hbm4b:s30+s3] =	stream.linear.scatter [tilespmem:s3], [sflag:$0x2], $0x8000, $0x38;
	[tilespmem:$0x8000] =	vst v63  }
0x5a: {  	_ =	swait.ge [sflag:s2], $0x8000  }
0x5b: {  	[sflag:s2] =	ssyncset.done $0x0  }
0x5c: {  	[sflag:s2] =	ssyncadd.s32 $0xFFFF8000  }
0x5d: {  	_ =	swait.ge [sflag:s2], $0x8000  }
0x5e: {  	[sflag:s2] =	ssyncset.done $0x0  }
0x5f: {  	[sflag:s2] =	ssyncadd.s32 $0xFFFF8000  }
0x60: {  	_ =	swait.ge [sflag:s2], $0x8000  }
0x61: {  	[sflag:s2] =	ssyncset.done $0x0  }
0x62: {  	[sflag:s2] =	ssyncadd.s32 $0xFFFF8000  }
0x63: {  	_ =	swait.ge [sflag:s2], $0x8000  }
0x64: {  	[sflag:s2] =	ssyncset.done $0x0  }
0x65: {  	[sflag:s2] =	ssyncadd.s32 $0xFFFF8000  }
0x66: {  	_ =	swait.ge [sflag:s2], $0x8000  }
0x67: {  	[sflag:s2] =	ssyncset.done $0x0  }
0x68: {  	[sflag:s2] =	ssyncadd.s32 $0xFFFF8000  }
0x69: {  	_ =	swait.ge [sflag:s2], $0x8000  }
0x6a: {  	[sflag:s2] =	ssyncset.done $0x0  }
0x6b: {  	[sflag:s2] =	ssyncadd.s32 $0xFFFF8000  }
0x6c: {  	_ =	swait.ge [sflag:s2], $0x8000  }
0x6d: {  	[sflag:s2] =	ssyncset.done $0x0  }
0x6e: {  	[sflag:s2] =	ssyncadd.s32 $0xFFFF8000  }
0x6f: {  	_ =	swait.ge [sflag:s2], $0x8000  }
0x70: {  	[sflag:s2] =	ssyncset.done $0x0  }
0x71: {  	[sflag:s2] =	ssyncadd.s32 $0xFFFF8000  }
0x72: {  	_ =	swait.ge [sflag:s2], $0x8000  }
0x73: {  	[sflag:s2] =	ssyncset.done $0x0  }
0x74: {  	[sflag:s2] =	ssyncadd.s32 $0xFFFF8000  }
0x75: {  	_ =	swait.ge [sflag:s2], $0x8000  }
0x76: {  	[sflag:s2] =	ssyncset.done $0x0  }
0x77: {  	[sflag:s2] =	ssyncadd.s32 $0xFFFF8000  }
0x78: {  	_ =	swait.ge [sflag:s2], $0x8000  }
0x79: {  	[sflag:s2] =	ssyncset.done $0x0  }
0x7a: {  	[sflag:s2] =	ssyncadd.s32 $0xFFFF8000  }
0x7b: {  	_ =	swait.ge [sflag:s2], $0x8000  }
0x7c: {  	[sflag:s2] =	ssyncset.done $0x0  }
0x7d: {  	[sflag:s2] =	ssyncadd.s32 $0xFFFF8000  }
0x7e: {  	_ =	swait.ge [sflag:s2], $0x8000  }
0x7f: {  	[sflag:s2] =	ssyncset.done $0x0  }
0x80: {  	[sflag:s2] =	ssyncadd.s32 $0xFFFF8000  }
0x81: {  	_ =	swait.ge [sflag:s2], $0x8000  }
0x82: {  	[sflag:s2] =	ssyncset.done $0x0  }
0x83: {  	[sflag:s2] =	ssyncadd.s32 $0xFFFF8000  }
0x84: {  	_ =	swait.ge [sflag:s2], $0x8000  }
0x85: {  	[sflag:s2] =	ssyncset.done $0x0  }
0x86: {  	[sflag:s2] =	ssyncadd.s32 $0xFFFF8000  }
0x87: {  	_ =	swait.ge [sflag:s2], $0x8000  }
0x88: {  	[sflag:s2] =	ssyncset.done $0x0  }
0x89: {  	[sflag:s2] =	ssyncadd.s32 $0xFFFF8000  }
0x8a: {  	_ =	swait.ge [sflag:s2], $0x8000  }
0x8b: {  	[sflag:s2] =	ssyncset.done $0x0  }
0x8c: {  	[sflag:s2] =	ssyncadd.s32 $0xFFFF8000  }
0x8d: {  	_ =	swait.ge [sflag:s2], $0x8000  }
0x8e: {  	[sflag:s2] =	ssyncset.done $0x0  }
0x8f: {  	[sflag:s2] =	ssyncadd.s32 $0xFFFF8000  }
0x90: {  	_ =	swait.ge [sflag:s2], $0x8000  }
0x91: {  	[sflag:s2] =	ssyncset.done $0x0  }
0x92: {  	[sflag:s2] =	ssyncadd.s32 $0xFFFF8000  }
0x93: {  	_ =	swait.ge [sflag:s2], $0x8000  }
0x94: {  	[sflag:s2] =	ssyncset.done $0x0  }
0x95: {  	[sflag:s2] =	ssyncadd.s32 $0xFFFF8000  }
0x96: {  	_ =	swait.ge [sflag:s2], $0x8000  }
0x97: {  	[sflag:s2] =	ssyncset.done $0x0  }
0x98: {  	[sflag:s2] =	ssyncadd.s32 $0xFFFF8000  }
0x99: {  	_ =	swait.ge [sflag:s2], $0x8000  }
0x9a: {  	[sflag:s2] =	ssyncset.done $0x0  }
0x9b: {  	[sflag:s2] =	ssyncadd.s32 $0xFFFF8000  }
0x9c: {  	_ =	swait.ge [sflag:s2], $0x8000  }
0x9d: {  	[sflag:s2] =	ssyncset.done $0x0  }
0x9e: {  	[sflag:s2] =	ssyncadd.s32 $0xFFFF8000  }
0x9f: {  	_ =	swait.ge [sflag:s2], $0x8000  }
0xa0: {  	[sflag:s2] =	ssyncset.done $0x0  }
0xa1: {  	[sflag:s2] =	ssyncadd.s32 $0xFFFF8000  }
0xa2: {  	_ =	swait.ge [sflag:s2], $0x8000  }
0xa3: {  	[sflag:s2] =	ssyncset.done $0x0  }
0xa4: {  	[sflag:s2] =	ssyncadd.s32 $0xFFFF8000  }
0xa5: {  	_ =	swait.ge [sflag:s2], $0x8000  }
0xa6: {  	[sflag:s2] =	ssyncset.done $0x0  }
0xa7: {  	[sflag:s2] =	ssyncadd.s32 $0xFFFF8000  }
0xa8: {  	_ =	swait.ge [sflag:s2], $0x8000  }
0xa9: {  	[sflag:s2] =	ssyncset.done $0x0  }
0xaa: {  	[sflag:s2] =	ssyncadd.s32 $0xFFFF8000  }
0xab: {  	_ =	swait.ge [sflag:s2], $0x8000  }
0xac: {  	[sflag:s2] =	ssyncset.done $0x0  }
0xad: {  	[sflag:s2] =	ssyncadd.s32 $0xFFFF8000  }
0xae: {  	_ =	swait.ge [sflag:s2], $0x8000  }
0xaf: {  	[sflag:s2] =	ssyncset.done $0x0  }
0xb0: {  	[sflag:s2] =	ssyncadd.s32 $0xFFFF8000  }
0xb1: {  	_ =	swait.ge [sflag:s2], $0x8000  }
0xb2: {  	[sflag:s2] =	ssyncset.done $0x0  }
0xb3: {  	[sflag:s2] =	ssyncadd.s32 $0xFFFF8000  }
0xb4: {  	_ =	swait.ge [sflag:s2], $0x8000  }
0xb5: {  	s1 =	rddreg [dreg:$0xa]  }
0xb6: {  	p1 =	sne.s32 s1, $0x1  }
.Ltmp1:
0xb7: {  	_ = 	snop;
	(pc) =	sbr.rel @!p1 .LBB2_3-.Ltmp1, $4  }
0xb8: {  	[sflag:s2] =	ssyncset.done $0x0  }
0xb9: {  	[sflag:s2] =	ssyncadd.s32 $0xFFFF8000  }
0xba: {  	p0 =	por $0x1, $0x1;
	_ =	swait.ge [sflag:s2], $0x8000  }
0xbb: {  	s1 =	sadd.s32 $0xFFFFFFFF, s1;
	s0 =	rddreg [dreg:$0x3];
	[sflag:s2] =	ssyncset.done $0x0  }
.LBB2_2:
0xbc: {  	[sflag:s2] =	ssyncadd.s32 $0xFFFF8000  }
0xbd: {  	[tilespmem:s3], [sflag:$0x1] =	stream.linear.gather [hbm4b:s0+s3], $0x8000, $0x38;
	[tilespmem:$0x8000] =	vst v63  }
0xbe: {  	_ =	swait.ge [sflag:s31], $0x8000  }
0xbf: {  	[sflag:s31] =	ssyncset.done $0x0  }
0xc0: {  	s0 =	rddreg [dreg:$0x4];
	[sflag:s31] =	ssyncadd.s32 $0xFFFF8000  }
0xc1: {  	s31 =	smov.u32 s30;
	s30 =	smov.u32 s29;
	s29 =	smov.u32 s28  }
0xc2: {  	s28 =	smov.u32 s26;
	s26 =	smov.u32 s25;
	s25 =	smov.u32 s24  }
0xc3: {  	s24 =	smov.u32 s23;
	s23 =	smov.u32 s22;
	s22 =	smov.u32 s21  }
0xc4: {  	s21 =	smov.u32 s20;
	s20 =	smov.u32 s19;
	s19 =	smov.u32 s18  }
0xc5: {  	s18 =	smov.u32 s17;
	s17 =	smov.u32 s16;
	s16 =	smov.u32 s15  }
0xc6: {  	s15 =	smov.u32 s14;
	s14 =	smov.u32 s13;
	s13 =	smov.u32 s12  }
0xc7: {  	s12 =	smov.u32 s11;
	s11 =	smov.u32 s10;
	s10 =	smov.u32 s9  }
0xc8: {  	s9 =	smov.u32 s8;
	s8 =	smov.u32 s7;
	s7 =	smov.u32 s6  }
0xc9: {  	[hbm4b:s0+s3] =	stream.linear.scatter [tilespmem:s3], [sflag:$0x2], $0x8000, $0x38;
	[tilespmem:$0x8000] =	vst v63  }
0xca: {  	s6 =	smov.u32 s5;
	s5 =	smov.u32 s4;
	s4 =	rddreg [dreg:$0x5]  }
0xcb: {  	[hbm4b:s4+s3] =	stream.linear.scatter [tilespmem:s3], [sflag:$0x2], $0x8000, $0x38;
	[tilespmem:$0x8000] =	vst v63  }
0xcc: {  	s0 =	rddreg [dreg:$0x6]  }
0xcd: {  	[hbm4b:s0+s3] =	stream.linear.scatter [tilespmem:s3], [sflag:$0x2], $0x8000, $0x38;
	[tilespmem:$0x8000] =	vst v63  }
0xce: {  	s4 =	rddreg [dreg:$0x7]  }
0xcf: {  	[hbm4b:s4+s3] =	stream.linear.scatter [tilespmem:s3], [sflag:$0x2], $0x8000, $0x38;
	[tilespmem:$0x8000] =	vst v63  }
0xd0: {  	s0 =	rddreg [dreg:$0x8]  }
0xd1: {  	[hbm4b:s0+s3] =	stream.linear.scatter [tilespmem:s3], [sflag:$0x2], $0x8000, $0x38;
	[tilespmem:$0x8000] =	vst v63  }
0xd2: {  	s4 =	rddreg [dreg:$0x9]  }
0xd3: {  	[hbm4b:s4+s3] =	stream.linear.scatter [tilespmem:s3], [sflag:$0x2], $0x8000, $0x38;
	[tilespmem:$0x8000] =	vst v63  }
0xd4: {  	s4 =	smov.u32 s5  }
0xd5: {  	[hbm4b:s4+s3] =	stream.linear.scatter [tilespmem:s3], [sflag:$0x2], $0x8000, $0x38;
	[tilespmem:$0x8000] =	vst v63  }
0xd6: {  	s5 =	smov.u32 s6  }
0xd7: {  	[hbm4b:s5+s3] =	stream.linear.scatter [tilespmem:s3], [sflag:$0x2], $0x8000, $0x38;
	[tilespmem:$0x8000] =	vst v63  }
0xd8: {  	s6 =	smov.u32 s7  }
0xd9: {  	[hbm4b:s6+s3] =	stream.linear.scatter [tilespmem:s3], [sflag:$0x2], $0x8000, $0x38;
	[tilespmem:$0x8000] =	vst v63  }
0xda: {  	s7 =	smov.u32 s8  }
0xdb: {  	[hbm4b:s7+s3] =	stream.linear.scatter [tilespmem:s3], [sflag:$0x2], $0x8000, $0x38;
	[tilespmem:$0x8000] =	vst v63  }
0xdc: {  	s8 =	smov.u32 s9  }
0xdd: {  	[hbm4b:s8+s3] =	stream.linear.scatter [tilespmem:s3], [sflag:$0x2], $0x8000, $0x38;
	[tilespmem:$0x8000] =	vst v63  }
0xde: {  	s9 =	smov.u32 s10  }
0xdf: {  	[hbm4b:s9+s3] =	stream.linear.scatter [tilespmem:s3], [sflag:$0x2], $0x8000, $0x38;
	[tilespmem:$0x8000] =	vst v63  }
0xe0: {  	s10 =	smov.u32 s11  }
0xe1: {  	[hbm4b:s10+s3] =	stream.linear.scatter [tilespmem:s3], [sflag:$0x2], $0x8000, $0x38;
	[tilespmem:$0x8000] =	vst v63  }
0xe2: {  	s11 =	smov.u32 s12  }
0xe3: {  	[hbm4b:s11+s3] =	stream.linear.scatter [tilespmem:s3], [sflag:$0x2], $0x8000, $0x38;
	[tilespmem:$0x8000] =	vst v63  }
0xe4: {  	s12 =	smov.u32 s13  }
0xe5: {  	[hbm4b:s12+s3] =	stream.linear.scatter [tilespmem:s3], [sflag:$0x2], $0x8000, $0x38;
	[tilespmem:$0x8000] =	vst v63  }
0xe6: {  	s13 =	smov.u32 s14  }
0xe7: {  	[hbm4b:s13+s3] =	stream.linear.scatter [tilespmem:s3], [sflag:$0x2], $0x8000, $0x38;
	[tilespmem:$0x8000] =	vst v63  }
0xe8: {  	s14 =	smov.u32 s15  }
0xe9: {  	[hbm4b:s14+s3] =	stream.linear.scatter [tilespmem:s3], [sflag:$0x2], $0x8000, $0x38;
	[tilespmem:$0x8000] =	vst v63  }
0xea: {  	s15 =	smov.u32 s16  }
0xeb: {  	[hbm4b:s15+s3] =	stream.linear.scatter [tilespmem:s3], [sflag:$0x2], $0x8000, $0x38;
	[tilespmem:$0x8000] =	vst v63  }
0xec: {  	s16 =	smov.u32 s17  }
0xed: {  	[hbm4b:s16+s3] =	stream.linear.scatter [tilespmem:s3], [sflag:$0x2], $0x8000, $0x38;
	[tilespmem:$0x8000] =	vst v63  }
0xee: {  	s17 =	smov.u32 s18  }
0xef: {  	[hbm4b:s17+s3] =	stream.linear.scatter [tilespmem:s3], [sflag:$0x2], $0x8000, $0x38;
	[tilespmem:$0x8000] =	vst v63  }
0xf0: {  	s18 =	smov.u32 s19  }
0xf1: {  	[hbm4b:s18+s3] =	stream.linear.scatter [tilespmem:s3], [sflag:$0x2], $0x8000, $0x38;
	[tilespmem:$0x8000] =	vst v63  }
0xf2: {  	s19 =	smov.u32 s20  }
0xf3: {  	[hbm4b:s19+s3] =	stream.linear.scatter [tilespmem:s3], [sflag:$0x2], $0x8000, $0x38;
	[tilespmem:$0x8000] =	vst v63  }
0xf4: {  	s20 =	smov.u32 s21  }
0xf5: {  	[hbm4b:s20+s3] =	stream.linear.scatter [tilespmem:s3], [sflag:$0x2], $0x8000, $0x38;
	[tilespmem:$0x8000] =	vst v63  }
0xf6: {  	s21 =	smov.u32 s22  }
0xf7: {  	[hbm4b:s21+s3] =	stream.linear.scatter [tilespmem:s3], [sflag:$0x2], $0x8000, $0x38;
	[tilespmem:$0x8000] =	vst v63  }
0xf8: {  	s22 =	smov.u32 s23  }
0xf9: {  	[hbm4b:s22+s3] =	stream.linear.scatter [tilespmem:s3], [sflag:$0x2], $0x8000, $0x38;
	[tilespmem:$0x8000] =	vst v63  }
0xfa: {  	s23 =	smov.u32 s24  }
0xfb: {  	[hbm4b:s23+s3] =	stream.linear.scatter [tilespmem:s3], [sflag:$0x2], $0x8000, $0x38;
	[tilespmem:$0x8000] =	vst v63  }
0xfc: {  	s24 =	smov.u32 s25  }
0xfd: {  	[hbm4b:s24+s3] =	stream.linear.scatter [tilespmem:s3], [sflag:$0x2], $0x8000, $0x38;
	[tilespmem:$0x8000] =	vst v63  }
0xfe: {  	s25 =	smov.u32 s26  }
0xff: {  	[hbm4b:s25+s3] =	stream.linear.scatter [tilespmem:s3], [sflag:$0x2], $0x8000, $0x38;
	[tilespmem:$0x8000] =	vst v63  }
0x100: {  	s26 =	smov.u32 s28  }
0x101: {  	[hbm4b:s26+s3] =	stream.linear.scatter [tilespmem:s3], [sflag:$0x2], $0x8000, $0x38;
	[tilespmem:$0x8000] =	vst v63  }
0x102: {  	s28 =	smov.u32 s29  }
0x103: {  	[hbm4b:s28+s3] =	stream.linear.scatter [tilespmem:s3], [sflag:$0x2], $0x8000, $0x38;
	[tilespmem:$0x8000] =	vst v63  }
0x104: {  	s29 =	smov.u32 s30  }
0x105: {  	[hbm4b:s29+s3] =	stream.linear.scatter [tilespmem:s3], [sflag:$0x2], $0x8000, $0x38;
	[tilespmem:$0x8000] =	vst v63  }
0x106: {  	s30 =	smov.u32 s31  }
0x107: {  	[hbm4b:s30+s3] =	stream.linear.scatter [tilespmem:s3], [sflag:$0x2], $0x8000, $0x38;
	[tilespmem:$0x8000] =	vst v63  }
0x108: {  	_ =	swait.ge [sflag:s2], $0x8000  }
0x109: {  	[sflag:s2] =	ssyncset.done $0x0  }
0x10a: {  	[sflag:s2] =	ssyncadd.s32 $0xFFFF8000  }
0x10b: {  	_ =	swait.ge [sflag:s2], $0x8000  }
0x10c: {  	[sflag:s2] =	ssyncset.done $0x0  }
0x10d: {  	[sflag:s2] =	ssyncadd.s32 $0xFFFF8000  }
0x10e: {  	_ =	swait.ge [sflag:s2], $0x8000  }
0x10f: {  	[sflag:s2] =	ssyncset.done $0x0  }
0x110: {  	[sflag:s2] =	ssyncadd.s32 $0xFFFF8000  }
0x111: {  	_ =	swait.ge [sflag:s2], $0x8000  }
0x112: {  	[sflag:s2] =	ssyncset.done $0x0  }
0x113: {  	[sflag:s2] =	ssyncadd.s32 $0xFFFF8000  }
0x114: {  	_ =	swait.ge [sflag:s2], $0x8000  }
0x115: {  	[sflag:s2] =	ssyncset.done $0x0  }
0x116: {  	[sflag:s2] =	ssyncadd.s32 $0xFFFF8000  }
0x117: {  	_ =	swait.ge [sflag:s2], $0x8000  }
0x118: {  	[sflag:s2] =	ssyncset.done $0x0  }
0x119: {  	[sflag:s2] =	ssyncadd.s32 $0xFFFF8000  }
0x11a: {  	_ =	swait.ge [sflag:s2], $0x8000  }
0x11b: {  	[sflag:s2] =	ssyncset.done $0x0  }
0x11c: {  	[sflag:s2] =	ssyncadd.s32 $0xFFFF8000  }
0x11d: {  	_ =	swait.ge [sflag:s2], $0x8000  }
0x11e: {  	[sflag:s2] =	ssyncset.done $0x0  }
0x11f: {  	[sflag:s2] =	ssyncadd.s32 $0xFFFF8000  }
0x120: {  	_ =	swait.ge [sflag:s2], $0x8000  }
0x121: {  	[sflag:s2] =	ssyncset.done $0x0  }
0x122: {  	[sflag:s2] =	ssyncadd.s32 $0xFFFF8000  }
0x123: {  	_ =	swait.ge [sflag:s2], $0x8000  }
0x124: {  	[sflag:s2] =	ssyncset.done $0x0  }
0x125: {  	[sflag:s2] =	ssyncadd.s32 $0xFFFF8000  }
0x126: {  	_ =	swait.ge [sflag:s2], $0x8000  }
0x127: {  	[sflag:s2] =	ssyncset.done $0x0  }
0x128: {  	[sflag:s2] =	ssyncadd.s32 $0xFFFF8000  }
0x129: {  	_ =	swait.ge [sflag:s2], $0x8000  }
0x12a: {  	[sflag:s2] =	ssyncset.done $0x0  }
0x12b: {  	[sflag:s2] =	ssyncadd.s32 $0xFFFF8000  }
0x12c: {  	_ =	swait.ge [sflag:s2], $0x8000  }
0x12d: {  	[sflag:s2] =	ssyncset.done $0x0  }
0x12e: {  	[sflag:s2] =	ssyncadd.s32 $0xFFFF8000  }
0x12f: {  	_ =	swait.ge [sflag:s2], $0x8000  }
0x130: {  	[sflag:s2] =	ssyncset.done $0x0  }
0x131: {  	[sflag:s2] =	ssyncadd.s32 $0xFFFF8000  }
0x132: {  	_ =	swait.ge [sflag:s2], $0x8000  }
0x133: {  	[sflag:s2] =	ssyncset.done $0x0  }
0x134: {  	[sflag:s2] =	ssyncadd.s32 $0xFFFF8000  }
0x135: {  	_ =	swait.ge [sflag:s2], $0x8000  }
0x136: {  	[sflag:s2] =	ssyncset.done $0x0  }
0x137: {  	[sflag:s2] =	ssyncadd.s32 $0xFFFF8000  }
0x138: {  	_ =	swait.ge [sflag:s2], $0x8000  }
0x139: {  	[sflag:s2] =	ssyncset.done $0x0  }
0x13a: {  	[sflag:s2] =	ssyncadd.s32 $0xFFFF8000  }
0x13b: {  	_ =	swait.ge [sflag:s2], $0x8000  }
0x13c: {  	[sflag:s2] =	ssyncset.done $0x0  }
0x13d: {  	[sflag:s2] =	ssyncadd.s32 $0xFFFF8000  }
0x13e: {  	_ =	swait.ge [sflag:s2], $0x8000  }
0x13f: {  	[sflag:s2] =	ssyncset.done $0x0  }
0x140: {  	[sflag:s2] =	ssyncadd.s32 $0xFFFF8000  }
0x141: {  	_ =	swait.ge [sflag:s2], $0x8000  }
0x142: {  	[sflag:s2] =	ssyncset.done $0x0  }
0x143: {  	[sflag:s2] =	ssyncadd.s32 $0xFFFF8000  }
0x144: {  	_ =	swait.ge [sflag:s2], $0x8000  }
0x145: {  	[sflag:s2] =	ssyncset.done $0x0  }
0x146: {  	[sflag:s2] =	ssyncadd.s32 $0xFFFF8000  }
0x147: {  	_ =	swait.ge [sflag:s2], $0x8000  }
0x148: {  	[sflag:s2] =	ssyncset.done $0x0  }
0x149: {  	[sflag:s2] =	ssyncadd.s32 $0xFFFF8000  }
0x14a: {  	_ =	swait.ge [sflag:s2], $0x8000  }
0x14b: {  	[sflag:s2] =	ssyncset.done $0x0  }
0x14c: {  	[sflag:s2] =	ssyncadd.s32 $0xFFFF8000  }
0x14d: {  	_ =	swait.ge [sflag:s2], $0x8000  }
0x14e: {  	[sflag:s2] =	ssyncset.done $0x0  }
0x14f: {  	[sflag:s2] =	ssyncadd.s32 $0xFFFF8000  }
0x150: {  	_ =	swait.ge [sflag:s2], $0x8000  }
0x151: {  	[sflag:s2] =	ssyncset.done $0x0  }
0x152: {  	[sflag:s2] =	ssyncadd.s32 $0xFFFF8000  }
0x153: {  	_ =	swait.ge [sflag:s2], $0x8000  }
0x154: {  	[sflag:s2] =	ssyncset.done $0x0  }
0x155: {  	[sflag:s2] =	ssyncadd.s32 $0xFFFF8000  }
0x156: {  	_ =	swait.ge [sflag:s2], $0x8000  }
0x157: {  	[sflag:s2] =	ssyncset.done $0x0  }
0x158: {  	[sflag:s2] =	ssyncadd.s32 $0xFFFF8000  }
0x159: {  	_ =	swait.ge [sflag:s2], $0x8000  }
0x15a: {  	[sflag:s2] =	ssyncset.done $0x0  }
0x15b: {  	[sflag:s2] =	ssyncadd.s32 $0xFFFF8000  }
0x15c: {  	_ =	swait.ge [sflag:s2], $0x8000  }
0x15d: {  	[sflag:s2] =	ssyncset.done $0x0  }
0x15e: {  	[sflag:s2] =	ssyncadd.s32 $0xFFFF8000  }
0x15f: {  	_ =	swait.ge [sflag:s2], $0x8000  }
0x160: {  	[sflag:s2] =	ssyncset.done $0x0  }
0x161: {  	p1 =	sne.s32 s1, $0x1;
	[sflag:s2] =	ssyncadd.s32 $0xFFFF8000  }
.Ltmp2:
0x162: {  	_ =	swait.ge [sflag:s2], $0x8000;
	(pc) =	sbr.rel @p1 .LBB2_2-.Ltmp2, $4  }
0x163: {  	[sflag:s2] =	ssyncset.done $0x0  }
0x164: {  	[sflag:s2] =	ssyncadd.s32 $0xFFFF8000  }
0x165: {  	s1 =	sadd.s32 $0xFFFFFFFF, s1;
	_ =	swait.ge [sflag:s2], $0x8000  }
0x166: {  	s31 =	simm.s32 $0x1;
	s0 =	rddreg [dreg:$0x3];
	[sflag:s2] =	ssyncset.done $0x0  }
.LBB2_3:
0x167: {  	[sflag:s2] =	ssyncadd.s32 @p0 $0xFFFF8000  }
0x168: {  	[tilespmem:s3], [sflag:$0x1] =	stream.linear.gather [hbm4b:s0+s3], $0x8000, $0x38;
	[tilespmem:$0x8000] =	vst v63  }
0x169: {  	_ =	swait.ge [sflag:s31], $0x8000  }
0x16a: {  	[sflag:s31] =	ssyncset.done $0x0  }
0x16b: {  	s0 =	rddreg [dreg:$0x4];
	[sflag:s31] =	ssyncadd.s32 $0xFFFF8000  }
0x16c: {  	[hbm4b:s0+s3] =	stream.linear.scatter [tilespmem:s3], [sflag:$0x2], $0x8000, $0x38;
	[tilespmem:$0x8000] =	vst v63  }
0x16d: {  	s1 =	rddreg [dreg:$0x5]  }
0x16e: {  	[hbm4b:s1+s3] =	stream.linear.scatter [tilespmem:s3], [sflag:$0x2], $0x8000, $0x38;
	[tilespmem:$0x8000] =	vst v63  }
0x16f: {  	s0 =	rddreg [dreg:$0x6]  }
0x170: {  	[hbm4b:s0+s3] =	stream.linear.scatter [tilespmem:s3], [sflag:$0x2], $0x8000, $0x38;
	[tilespmem:$0x8000] =	vst v63  }
0x171: {  	s31 =	rddreg [dreg:$0x7]  }
0x172: {  	[hbm4b:s31+s3] =	stream.linear.scatter [tilespmem:s3], [sflag:$0x2], $0x8000, $0x38;
	[tilespmem:$0x8000] =	vst v63  }
0x173: {  	s0 =	rddreg [dreg:$0x8]  }
0x174: {  	[hbm4b:s0+s3] =	stream.linear.scatter [tilespmem:s3], [sflag:$0x2], $0x8000, $0x38;
	[tilespmem:$0x8000] =	vst v63  }
0x175: {  	s31 =	rddreg [dreg:$0x9]  }
0x176: {  	[hbm4b:s31+s3] =	stream.linear.scatter [tilespmem:s3], [sflag:$0x2], $0x8000, $0x38;
	[tilespmem:$0x8000] =	vst v63  }
0x177: {  	_ = 	snop  }
0x178: {  	[hbm4b:s4+s3] =	stream.linear.scatter [tilespmem:s3], [sflag:$0x2], $0x8000, $0x38;
	[tilespmem:$0x8000] =	vst v63  }
0x179: {  	_ = 	snop  }
0x17a: {  	[hbm4b:s5+s3] =	stream.linear.scatter [tilespmem:s3], [sflag:$0x2], $0x8000, $0x38;
	[tilespmem:$0x8000] =	vst v63  }
0x17b: {  	_ = 	snop  }
0x17c: {  	[hbm4b:s6+s3] =	stream.linear.scatter [tilespmem:s3], [sflag:$0x2], $0x8000, $0x38;
	[tilespmem:$0x8000] =	vst v63  }
0x17d: {  	_ = 	snop  }
0x17e: {  	[hbm4b:s7+s3] =	stream.linear.scatter [tilespmem:s3], [sflag:$0x2], $0x8000, $0x38;
	[tilespmem:$0x8000] =	vst v63  }
0x17f: {  	_ = 	snop  }
0x180: {  	[hbm4b:s8+s3] =	stream.linear.scatter [tilespmem:s3], [sflag:$0x2], $0x8000, $0x38;
	[tilespmem:$0x8000] =	vst v63  }
0x181: {  	_ = 	snop  }
0x182: {  	[hbm4b:s9+s3] =	stream.linear.scatter [tilespmem:s3], [sflag:$0x2], $0x8000, $0x38;
	[tilespmem:$0x8000] =	vst v63  }
0x183: {  	_ = 	snop  }
0x184: {  	[hbm4b:s10+s3] =	stream.linear.scatter [tilespmem:s3], [sflag:$0x2], $0x8000, $0x38;
	[tilespmem:$0x8000] =	vst v63  }
0x185: {  	_ = 	snop  }
0x186: {  	[hbm4b:s11+s3] =	stream.linear.scatter [tilespmem:s3], [sflag:$0x2], $0x8000, $0x38;
	[tilespmem:$0x8000] =	vst v63  }
0x187: {  	_ = 	snop  }
0x188: {  	[hbm4b:s12+s3] =	stream.linear.scatter [tilespmem:s3], [sflag:$0x2], $0x8000, $0x38;
	[tilespmem:$0x8000] =	vst v63  }
0x189: {  	_ = 	snop  }
0x18a: {  	[hbm4b:s13+s3] =	stream.linear.scatter [tilespmem:s3], [sflag:$0x2], $0x8000, $0x38;
	[tilespmem:$0x8000] =	vst v63  }
0x18b: {  	_ = 	snop  }
0x18c: {  	[hbm4b:s14+s3] =	stream.linear.scatter [tilespmem:s3], [sflag:$0x2], $0x8000, $0x38;
	[tilespmem:$0x8000] =	vst v63  }
0x18d: {  	_ = 	snop  }
0x18e: {  	[hbm4b:s15+s3] =	stream.linear.scatter [tilespmem:s3], [sflag:$0x2], $0x8000, $0x38;
	[tilespmem:$0x8000] =	vst v63  }
0x18f: {  	_ = 	snop  }
0x190: {  	[hbm4b:s16+s3] =	stream.linear.scatter [tilespmem:s3], [sflag:$0x2], $0x8000, $0x38;
	[tilespmem:$0x8000] =	vst v63  }
0x191: {  	_ = 	snop  }
0x192: {  	[hbm4b:s17+s3] =	stream.linear.scatter [tilespmem:s3], [sflag:$0x2], $0x8000, $0x38;
	[tilespmem:$0x8000] =	vst v63  }
0x193: {  	_ = 	snop  }
0x194: {  	[hbm4b:s18+s3] =	stream.linear.scatter [tilespmem:s3], [sflag:$0x2], $0x8000, $0x38;
	[tilespmem:$0x8000] =	vst v63  }
0x195: {  	_ = 	snop  }
0x196: {  	[hbm4b:s19+s3] =	stream.linear.scatter [tilespmem:s3], [sflag:$0x2], $0x8000, $0x38;
	[tilespmem:$0x8000] =	vst v63  }
0x197: {  	_ = 	snop  }
0x198: {  	[hbm4b:s20+s3] =	stream.linear.scatter [tilespmem:s3], [sflag:$0x2], $0x8000, $0x38;
	[tilespmem:$0x8000] =	vst v63  }
0x199: {  	_ = 	snop  }
0x19a: {  	[hbm4b:s21+s3] =	stream.linear.scatter [tilespmem:s3], [sflag:$0x2], $0x8000, $0x38;
	[tilespmem:$0x8000] =	vst v63  }
0x19b: {  	_ = 	snop  }
0x19c: {  	[hbm4b:s22+s3] =	stream.linear.scatter [tilespmem:s3], [sflag:$0x2], $0x8000, $0x38;
	[tilespmem:$0x8000] =	vst v63  }
0x19d: {  	_ = 	snop  }
0x19e: {  	[hbm4b:s23+s3] =	stream.linear.scatter [tilespmem:s3], [sflag:$0x2], $0x8000, $0x38;
	[tilespmem:$0x8000] =	vst v63  }
0x19f: {  	_ = 	snop  }
0x1a0: {  	[hbm4b:s24+s3] =	stream.linear.scatter [tilespmem:s3], [sflag:$0x2], $0x8000, $0x38;
	[tilespmem:$0x8000] =	vst v63  }
0x1a1: {  	_ = 	snop  }
0x1a2: {  	[hbm4b:s25+s3] =	stream.linear.scatter [tilespmem:s3], [sflag:$0x2], $0x8000, $0x38;
	[tilespmem:$0x8000] =	vst v63  }
0x1a3: {  	_ = 	snop  }
0x1a4: {  	[hbm4b:s26+s3] =	stream.linear.scatter [tilespmem:s3], [sflag:$0x2], $0x8000, $0x38;
	[tilespmem:$0x8000] =	vst v63  }
0x1a5: {  	_ = 	snop  }
0x1a6: {  	[hbm4b:s28+s3] =	stream.linear.scatter [tilespmem:s3], [sflag:$0x2], $0x8000, $0x38;
	[tilespmem:$0x8000] =	vst v63  }
0x1a7: {  	_ = 	snop  }
0x1a8: {  	[hbm4b:s29+s3] =	stream.linear.scatter [tilespmem:s3], [sflag:$0x2], $0x8000, $0x38;
	[tilespmem:$0x8000] =	vst v63  }
0x1a9: {  	_ = 	snop  }
0x1aa: {  	[hbm4b:s30+s3] =	stream.linear.scatter [tilespmem:s3], [sflag:$0x2], $0x8000, $0x38;
	[tilespmem:$0x8000] =	vst v63  }
0x1ab: {  	_ =	swait.ge [sflag:s2], $0x8000  }
0x1ac: {  	[sflag:s2] =	ssyncset.done $0x0  }
0x1ad: {  	[sflag:s2] =	ssyncadd.s32 $0xFFFF8000  }
0x1ae: {  	_ =	swait.ge [sflag:s2], $0x8000  }
0x1af: {  	[sflag:s2] =	ssyncset.done $0x0  }
0x1b0: {  	[sflag:s2] =	ssyncadd.s32 $0xFFFF8000  }
0x1b1: {  	_ =	swait.ge [sflag:s2], $0x8000  }
0x1b2: {  	[sflag:s2] =	ssyncset.done $0x0  }
0x1b3: {  	[sflag:s2] =	ssyncadd.s32 $0xFFFF8000  }
0x1b4: {  	_ =	swait.ge [sflag:s2], $0x8000  }
0x1b5: {  	[sflag:s2] =	ssyncset.done $0x0  }
0x1b6: {  	[sflag:s2] =	ssyncadd.s32 $0xFFFF8000  }
0x1b7: {  	_ =	swait.ge [sflag:s2], $0x8000  }
0x1b8: {  	[sflag:s2] =	ssyncset.done $0x0  }
0x1b9: {  	[sflag:s2] =	ssyncadd.s32 $0xFFFF8000  }
0x1ba: {  	_ =	swait.ge [sflag:s2], $0x8000  }
0x1bb: {  	[sflag:s2] =	ssyncset.done $0x0  }
0x1bc: {  	[sflag:s2] =	ssyncadd.s32 $0xFFFF8000  }
0x1bd: {  	_ =	swait.ge [sflag:s2], $0x8000  }
0x1be: {  	[sflag:s2] =	ssyncset.done $0x0  }
0x1bf: {  	[sflag:s2] =	ssyncadd.s32 $0xFFFF8000  }
0x1c0: {  	_ =	swait.ge [sflag:s2], $0x8000  }
0x1c1: {  	[sflag:s2] =	ssyncset.done $0x0  }
0x1c2: {  	[sflag:s2] =	ssyncadd.s32 $0xFFFF8000  }
0x1c3: {  	_ =	swait.ge [sflag:s2], $0x8000  }
0x1c4: {  	[sflag:s2] =	ssyncset.done $0x0  }
0x1c5: {  	[sflag:s2] =	ssyncadd.s32 $0xFFFF8000  }
0x1c6: {  	_ =	swait.ge [sflag:s2], $0x8000  }
0x1c7: {  	[sflag:s2] =	ssyncset.done $0x0  }
0x1c8: {  	[sflag:s2] =	ssyncadd.s32 $0xFFFF8000  }
0x1c9: {  	_ =	swait.ge [sflag:s2], $0x8000  }
0x1ca: {  	[sflag:s2] =	ssyncset.done $0x0  }
0x1cb: {  	[sflag:s2] =	ssyncadd.s32 $0xFFFF8000  }
0x1cc: {  	_ =	swait.ge [sflag:s2], $0x8000  }
0x1cd: {  	[sflag:s2] =	ssyncset.done $0x0  }
0x1ce: {  	[sflag:s2] =	ssyncadd.s32 $0xFFFF8000  }
0x1cf: {  	_ =	swait.ge [sflag:s2], $0x8000  }
0x1d0: {  	[sflag:s2] =	ssyncset.done $0x0  }
0x1d1: {  	[sflag:s2] =	ssyncadd.s32 $0xFFFF8000  }
0x1d2: {  	_ =	swait.ge [sflag:s2], $0x8000  }
0x1d3: {  	[sflag:s2] =	ssyncset.done $0x0  }
0x1d4: {  	[sflag:s2] =	ssyncadd.s32 $0xFFFF8000  }
0x1d5: {  	_ =	swait.ge [sflag:s2], $0x8000  }
0x1d6: {  	[sflag:s2] =	ssyncset.done $0x0  }
0x1d7: {  	[sflag:s2] =	ssyncadd.s32 $0xFFFF8000  }
0x1d8: {  	_ =	swait.ge [sflag:s2], $0x8000  }
0x1d9: {  	[sflag:s2] =	ssyncset.done $0x0  }
0x1da: {  	[sflag:s2] =	ssyncadd.s32 $0xFFFF8000  }
0x1db: {  	_ =	swait.ge [sflag:s2], $0x8000  }
0x1dc: {  	[sflag:s2] =	ssyncset.done $0x0  }
0x1dd: {  	[sflag:s2] =	ssyncadd.s32 $0xFFFF8000  }
0x1de: {  	_ =	swait.ge [sflag:s2], $0x8000  }
0x1df: {  	[sflag:s2] =	ssyncset.done $0x0  }
0x1e0: {  	[sflag:s2] =	ssyncadd.s32 $0xFFFF8000  }
0x1e1: {  	_ =	swait.ge [sflag:s2], $0x8000  }
0x1e2: {  	[sflag:s2] =	ssyncset.done $0x0  }
0x1e3: {  	[sflag:s2] =	ssyncadd.s32 $0xFFFF8000  }
0x1e4: {  	_ =	swait.ge [sflag:s2], $0x8000  }
0x1e5: {  	[sflag:s2] =	ssyncset.done $0x0  }
0x1e6: {  	[sflag:s2] =	ssyncadd.s32 $0xFFFF8000  }
0x1e7: {  	_ =	swait.ge [sflag:s2], $0x8000  }
0x1e8: {  	[sflag:s2] =	ssyncset.done $0x0  }
0x1e9: {  	[sflag:s2] =	ssyncadd.s32 $0xFFFF8000  }
0x1ea: {  	_ =	swait.ge [sflag:s2], $0x8000  }
0x1eb: {  	[sflag:s2] =	ssyncset.done $0x0  }
0x1ec: {  	[sflag:s2] =	ssyncadd.s32 $0xFFFF8000  }
0x1ed: {  	_ =	swait.ge [sflag:s2], $0x8000  }
0x1ee: {  	[sflag:s2] =	ssyncset.done $0x0  }
0x1ef: {  	[sflag:s2] =	ssyncadd.s32 $0xFFFF8000  }
0x1f0: {  	_ =	swait.ge [sflag:s2], $0x8000  }
0x1f1: {  	[sflag:s2] =	ssyncset.done $0x0  }
0x1f2: {  	[sflag:s2] =	ssyncadd.s32 $0xFFFF8000  }
0x1f3: {  	_ =	swait.ge [sflag:s2], $0x8000  }
0x1f4: {  	[sflag:s2] =	ssyncset.done $0x0  }
0x1f5: {  	[sflag:s2] =	ssyncadd.s32 $0xFFFF8000  }
0x1f6: {  	_ =	swait.ge [sflag:s2], $0x8000  }
0x1f7: {  	[sflag:s2] =	ssyncset.done $0x0  }
0x1f8: {  	[sflag:s2] =	ssyncadd.s32 $0xFFFF8000  }
0x1f9: {  	_ =	swait.ge [sflag:s2], $0x8000  }
0x1fa: {  	[sflag:s2] =	ssyncset.done $0x0  }
0x1fb: {  	[sflag:s2] =	ssyncadd.s32 $0xFFFF8000  }
0x1fc: {  	_ =	swait.ge [sflag:s2], $0x8000  }
0x1fd: {  	[sflag:s2] =	ssyncset.done $0x0  }
0x1fe: {  	[sflag:s2] =	ssyncadd.s32 $0xFFFF8000  }
0x1ff: {  	_ =	swait.ge [sflag:s2], $0x8000  }
0x200: {  	[sflag:s2] =	ssyncset.done $0x0  }
0x201: {  	[sflag:s2] =	ssyncadd.s32 $0xFFFF8000  }
0x202: {  	_ =	swait.ge [sflag:s2], $0x8000  }
0x203: {  	[sflag:s2] =	ssyncset.done $0x0  }
0x204: {  	[sflag:s2] =	ssyncadd.s32 $0xFFFF8000  }
0x205: {  	_ =	swait.ge [sflag:s2], $0x8000  }
0x206: {  	[sflag:s2] =	ssyncset.done $0x0  }
0x207: {  	[sflag:s2] =	ssyncadd.s32 $0xFFFF8000  }
0x208: {  	_ =	swait.ge [sflag:s2], $0x8000  }
0x209: {  	[sflag:s2] =	ssyncset.done $0x0  }
0x20a: {  	[sflag:s2] =	ssyncadd.s32 $0xFFFF8000  }
0x20b: {  	_ =	sfence.sel $0x180000  }
0x20c: {  	[bflag:$0x0] =	sbarrier.arrive $0xFFFF  }
0x20d: {  	_ =	strace $0x90000047  }
0x20e: {  	s31 =	stileid.u32;
	[bflag:$0x2] =	sbarrier.arrive $0xFFFF  }
0x20f: {  	p0 =	sne.s32 s31, $0x0;
	s0 =	rddreg [dreg:$0x2]  }
0x210: {  	s0 =	sadd.s32 @!p0 $0x100000, s0  }
0x211: {  	[sflag:s0] =	ssyncadd.tile.s32 @!p0 $0x1;
	_ =	shalt  }
.Lfunc_end2:
_tile_overlayer_lowered:
.L_overlay_start_2:
0x212: {  	(tag) =	ssettag $0x2  }
0x213: {  	s0 =	rddreg [dreg:$0x0];
	s2 =	stileid.u32  }
0x214: {  	s1 =	rddreg [dreg:$0x1];
	p0 =	sne.s32 s2, $0x0  }
0x215: {  	s3 =	rddreg [dreg:$0x2];
	[bflag:$0x3] =	sbarrier.arrive $0xFFFF;
	s2 =	simm.s32 @!p0 $0x1C03  }
0x216: {  	[timem:s3], [sflag:s2] =	dma.local @!p0 [hbm:s0], s1  }
0x217: {  	s0 =	simm.s32 @!p0 $0x3  }
0x218: {  	_ =	swait.ge @!p0 [sflag:s0], s1  }
0x219: {  	s1 =	ssub.s32 @!p0 $0x0, s1;
	[sflag:s0] =	ssyncset.done @!p0 $0x0  }
0x21a: {  	[sflag:s0] =	ssyncadd.s32 @!p0 s1  }
0x21b: {  	[bflag:$0x3] =	sbarrier.arrive $0xFFFF  }
0x21c: {  	_ =	shalt  }

</sc_bundles>
